<compile_context>
chip_gen: v7x
topology: tpu7x:2x2x1
jax: 0.10.2.dev20260603
libtpu: 0.0.44.dev20260713+nightly
codegen_flags: <defaults>
</compile_context>

<pallas_src>
import functools

import jax
import jax.numpy as jnp
from jax import lax
from jax.experimental import pallas as pl
from jax.experimental.pallas import tpu as pltpu
from jax.experimental.pallas import tpu_sc as plsc

B = 16384
EMB = 64
HID = 64
NREL = 16

_NC, _NS = 2, 16
_NW = _NC * _NS
_IDS = 4 * B
_PER_W = _IDS // _NW
_CH = 512
_NCH = _PER_W // _CH


@functools.cache
def _make_sc_gather():
    mesh = plsc.VectorSubcoreMesh(core_axis_name="c", subcore_axis_name="s")

    @functools.partial(
        pl.kernel,
        out_type=jax.ShapeDtypeStruct((_IDS, EMB), jnp.float32),
        mesh=mesh,
        scratch_types=[
            pltpu.VMEM((_PER_W,), jnp.int32),
            pltpu.VMEM((2, _CH, EMB), jnp.float32),
            pltpu.SemaphoreType.DMA,
            pltpu.SemaphoreType.DMA,
        ],
        compiler_params=pltpu.CompilerParams(use_tc_tiling_on_sc=False),
    )
    def _sc_gather(ids_hbm, table_hbm, out_hbm, idx_v, rows_v, sem0, sem1):
        wid = lax.axis_index("s") * _NC + lax.axis_index("c")
        base = wid * _PER_W
        pltpu.sync_copy(ids_hbm.at[pl.ds(base, _PER_W)], idx_v)
        sems = [sem0, sem1]
        copies = [None, None]
        copies[0] = pltpu.async_copy(
            table_hbm.at[idx_v.at[pl.ds(0, _CH)]], rows_v.at[0], sems[0])
        for c in range(_NCH):
            cur = c % 2
            if c + 1 < _NCH:
                nxt = (c + 1) % 2
                copies[nxt] = pltpu.async_copy(
                    table_hbm.at[idx_v.at[pl.ds((c + 1) * _CH, _CH)]],
                    rows_v.at[nxt], sems[nxt])
            copies[cur].wait()
            pltpu.sync_copy(rows_v.at[cur],
                            out_hbm.at[pl.ds(base + c * _CH, _CH)])

    return _sc_gather


_S = 1024
_GRID = B // _S


def _sigmoid(x):
    return jax.nn.sigmoid(x)


def _gnn(x, dcat, w, prec):
    S = _S
    P = jnp.dot(dcat, w["w1cat"], preferred_element_type=jnp.float32,
                precision=prec)
    p0, p2, p4 = P[0:S], P[S:2 * S], P[2 * S:3 * S]
    H = jnp.maximum(
        jnp.concatenate([p0, -p0, p2, -p2, p4, -p4], axis=0)
        + w["b1cat6"], 0.0)
    Z = jnp.dot(H, w["w2bd"], preferred_element_type=jnp.float32,
                precision=prec)
    msg = Z[:, 0:HID] + w["b2m"]
    att = _sigmoid(Z[:, HID:2 * HID] + w["b2a"])
    m = msg * att
    mA = m[S:2 * S]
    mE = m[0:S] + m[3 * S:4 * S]
    mB = m[2 * S:3 * S] + m[5 * S:6 * S]
    mC = m[4 * S:5 * S]
    sm = jnp.concatenate([mA, mE, mB, mC], axis=0)
    gx = jnp.concatenate([sm, x], axis=1)
    G = jnp.dot(gx, w["wg"], preferred_element_type=jnp.float32,
                precision=prec)
    r = _sigmoid(G[:, 0:HID] + w["bih_r"] + w["bhh_r"])
    z = _sigmoid(G[:, HID:2 * HID] + w["bih_z"] + w["bhh_z"])
    n = jnp.tanh(G[:, 2 * HID:3 * HID] + w["bih_n"]
                 + r * (G[:, 3 * HID:4 * HID] + w["bhh_n"]))
    return (1.0 - z) * n + z * x


def _diffs(x):
    S = _S
    d0 = x[0:S] - x[S:2 * S]
    d2 = x[S:2 * S] - x[2 * S:3 * S]
    d4 = x[2 * S:3 * S] - x[3 * S:4 * S]
    return jnp.concatenate([d0, d2, d4], axis=0)


def _head(h, w1T, b1, w2T, b2, prec):
    hh = jnp.maximum(jnp.dot(h, w1T, preferred_element_type=jnp.float32,
                             precision=prec) + b1, 0.0)
    return jnp.dot(hh, w2T, preferred_element_type=jnp.float32,
                   precision=prec) + b2


_SEG_KEYS = ("w1cat", "b1cat6", "w2bd", "b2m", "b2a", "wg",
             "bih_r", "bih_z", "bih_n", "bhh_r", "bhh_z", "bhh_n")
_TC_ARG_KEYS = (
    ["node", "rel_emb", "pabT", "pab_b", "pbc_nT", "pbc_rT", "pbc_b"]
    + ["ab_" + k for k in _SEG_KEYS] + ["bc_" + k for k in _SEG_KEYS]
    + ["hab_w1T", "hab_b1", "hab_w2T", "hab_b2",
       "hbc_w1T", "hbc_b1", "hbc_w2T", "hbc_b2"])


def _tc_body(*refs):
    w = {k: r[...] for k, r in zip(_TC_ARG_KEYS, refs[:len(_TC_ARG_KEYS)])}
    ab_out, bc_out = refs[len(_TC_ARG_KEYS):]
    S = _S
    node = w["node"].reshape(4 * S, EMB)
    ab = {k[3:]: w[k] for k in w if k.startswith("ab_")}
    bc = {k[3:]: w[k] for k in w if k.startswith("bc_")}

    x_ab = jnp.maximum(
        jnp.dot(node, w["pabT"], preferred_element_type=jnp.float32,
                precision=lax.Precision.HIGHEST) + w["pab_b"], 0.0)
    xbcn = jnp.dot(node, w["pbc_nT"], preferred_element_type=jnp.float32,
                   precision=lax.Precision.HIGHEST)
    s_ab = _gnn(x_ab, _diffs(x_ab), ab, lax.Precision.HIGHEST)
    h_ab = s_ab[0:S] - s_ab[2 * S:3 * S]
    logits_ab = _head(h_ab, w["hab_w1T"], w["hab_b1"], w["hab_w2T"],
                      w["hab_b2"], lax.Precision.HIGHEST)
    ab_out[...] = logits_ab

    mx = jnp.max(logits_ab, axis=1, keepdims=True)
    iota = lax.broadcasted_iota(jnp.int32, (S, NREL), 1)
    cand = jnp.where(logits_ab >= mx, iota, NREL)
    rel = jnp.min(cand, axis=1, keepdims=True)
    oh = (iota == rel).astype(jnp.float32)
    r_vec = jnp.dot(oh, w["rel_emb"], preferred_element_type=jnp.float32,
                    precision=lax.Precision.HIGHEST)

    t = jnp.dot(r_vec, w["pbc_rT"], preferred_element_type=jnp.float32,
                precision=lax.Precision.HIGHEST)
    r_rep = jnp.concatenate([t, t, t, t], axis=0)
    x_bc = jnp.maximum(xbcn + r_rep + w["pbc_b"], 0.0)
    s_bc = _gnn(x_bc, _diffs(x_bc), bc, lax.Precision.HIGHEST)
    h_bc = s_bc[2 * S:3 * S] - s_bc[3 * S:4 * S]
    bc_out[...] = _head(h_bc, w["hbc_w1T"], w["hbc_b1"], w["hbc_w2T"],
                        w["hbc_b2"], lax.Precision.HIGHEST)


def _tc_forward(args, interpret=False):
    def spec(k):
        a = args[k]
        if k == "node":
            return pl.BlockSpec((4, _S, EMB), lambda i: (0, i, 0))
        nd = a.ndim
        return pl.BlockSpec(a.shape, lambda i, _n=nd: (0,) * _n)

    return pl.pallas_call(
        _tc_body,
        grid=(_GRID,),
        in_specs=[spec(k) for k in _TC_ARG_KEYS],
        out_specs=[pl.BlockSpec((_S, NREL), lambda i: (i, 0)),
                   pl.BlockSpec((_S, NREL), lambda i: (i, 0))],
        out_shape=[jax.ShapeDtypeStruct((B, NREL), jnp.float32),
                   jax.ShapeDtypeStruct((B, NREL), jnp.float32)],
        interpret=interpret,
    )(*[args[k] for k in _TC_ARG_KEYS])


def _pack_seg(msg_W1, msg_b1, msg_W2, msg_b2, att_W1, att_b1, att_W2, att_b2,
              gru_Wih, gru_Whh, gru_bih, gru_bhh):
    w = {}
    AH = att_W1.shape[0]
    w["w1cat"] = jnp.concatenate([msg_W1[:, :EMB].T,
                                  att_W1[:, :EMB].T], axis=1)
    b1m = msg_b1[None, :] + msg_W1[:, EMB:EMB + 6].T
    b1a = att_b1[None, :] + att_W1[:, EMB:EMB + 6].T
    w["b1cat6"] = jnp.repeat(jnp.concatenate([b1m, b1a], axis=1), _S, axis=0)
    w["w2bd"] = jnp.concatenate([
        jnp.concatenate([msg_W2.T, jnp.zeros((HID, HID), jnp.float32)],
                        axis=1),
        jnp.concatenate([jnp.zeros((AH, HID), jnp.float32), att_W2.T],
                        axis=1),
    ], axis=0)
    w["b2m"] = msg_b2[None, :]
    w["b2a"] = att_b2[None, :]
    wih = gru_Wih.T
    whh = gru_Whh.T
    zh = jnp.zeros((HID, HID), jnp.float32)
    w["wg"] = jnp.concatenate([
        jnp.concatenate([wih[:, 0:HID], wih[:, HID:2 * HID],
                         wih[:, 2 * HID:], zh], axis=1),
        jnp.concatenate([whh[:, 0:HID], whh[:, HID:2 * HID],
                         zh, whh[:, 2 * HID:]], axis=1),
    ], axis=0)
    for i, g in enumerate(("r", "z", "n")):
        w["bih_" + g] = gru_bih[None, i * HID:(i + 1) * HID]
        w["bhh_" + g] = gru_bhh[None, i * HID:(i + 1) * HID]
    return w


def _assemble_tc_args(node4, rel_emb, p):
    args = {"node": node4, "rel_emb": rel_emb}
    args["pabT"] = p["proj_ab_W"].T
    args["pab_b"] = p["proj_ab_b"][None, :]
    args["pbc_nT"] = p["proj_bc_W"][:, :EMB].T
    args["pbc_rT"] = p["proj_bc_W"][:, EMB:].T
    args["pbc_b"] = p["proj_bc_b"][None, :]
    for pre in ("ab", "bc"):
        seg = _pack_seg(*[p[f"{pre}_{n}"] for n in (
            "msg_W1", "msg_b1", "msg_W2", "msg_b2",
            "att_W1", "att_b1", "att_W2", "att_b2",
            "gru_Wih", "gru_Whh", "gru_bih", "gru_bhh")])
        for k, v in seg.items():
            args[f"{pre}_{k}"] = v
    for pre, tag in (("head_ab", "hab"), ("head_bc", "hbc")):
        args[f"{tag}_w1T"] = p[f"{pre}_W1"].T
        args[f"{tag}_b1"] = p[f"{pre}_b1"][None, :]
        args[f"{tag}_w2T"] = p[f"{pre}_W2"].T
        args[f"{tag}_b2"] = p[f"{pre}_b2"][None, :]
    return args


def kernel(a_ids, event_ids, b_ids, c_ids, ent_emb, rel_emb,
           proj_ab_W, proj_ab_b, proj_bc_W, proj_bc_b,
           ab_msg_W1, ab_msg_b1, ab_msg_W2, ab_msg_b2,
           ab_att_W1, ab_att_b1, ab_att_W2, ab_att_b2,
           ab_gru_Wih, ab_gru_Whh, ab_gru_bih, ab_gru_bhh,
           bc_msg_W1, bc_msg_b1, bc_msg_W2, bc_msg_b2,
           bc_att_W1, bc_att_b1, bc_att_W2, bc_att_b2,
           bc_gru_Wih, bc_gru_Whh, bc_gru_bih, bc_gru_bhh,
           head_ab_W1, head_ab_b1, head_ab_W2, head_ab_b2,
           head_bc_W1, head_bc_b1, head_bc_W2, head_bc_b2):
    p = dict(locals())
    ids_all = jnp.concatenate(
        [a_ids, event_ids, b_ids, c_ids]).astype(jnp.int32)
    gathered = _make_sc_gather()(ids_all, ent_emb)
    node4 = gathered.reshape(4, B, EMB)
    args = _assemble_tc_args(node4, rel_emb, p)
    logits_ab, logits_bc = _tc_forward(args)
    return logits_ab, logits_bc

# --- scband reference (transcript-rebuilt; emitter-appended) ---
"""Pipeline reference for scband-grancascading-predictor-28252294873251 (READ-ONLY COPY).

The authoritative reference and input builder live on the scoring server;
editing this copy changes nothing except your own understanding.
"""

import jax, jax.numpy as jnp
import numpy as np

B = 16384
NUM_ENT = 1000000
NUM_REL = 16
EMB = 64
HID = 64

def _lin(x, W, b):
    return x @ W.T + b

def _gru(x, h, Wih, Whh, bih, bhh):
    gi = x @ Wih.T + bih
    gh = h @ Whh.T + bhh
    i_r, i_z, i_n = jnp.split(gi, 3, axis=-1)
    h_r, h_z, h_n = jnp.split(gh, 3, axis=-1)
    r = jax.nn.sigmoid(i_r + h_r)
    z = jax.nn.sigmoid(i_z + h_z)
    n = jnp.tanh(i_n + r * h_n)
    return (1.0 - z) * n + z * h

def _gnn_layer(state, edge, edge_feat, p):
    src, dst = edge[:, 0], edge[:, 1]
    state_diff = state[src] - state[dst]
    edge_input = jnp.concatenate([state_diff, edge_feat], axis=1)
    msg = _lin(jax.nn.relu(_lin(edge_input, p['msg_W1'], p['msg_b1'])), p['msg_W2'], p['msg_b2'])
    att = jax.nn.sigmoid(_lin(jax.nn.relu(_lin(edge_input, p['att_W1'], p['att_b1'])), p['att_W2'], p['att_b2']))
    msg = msg * att
    state_msg = jax.ops.segment_sum(msg, dst, num_segments=state.shape[0])
    return _gru(state_msg, state, p['gru_Wih'], p['gru_Whh'], p['gru_bih'], p['gru_bhh'])

def _forward(p, ids):
    a = p['ent_emb'][ids['a_ids']]
    ev = p['ent_emb'][ids['event_ids']]
    b = p['ent_emb'][ids['b_ids']]
    c = p['ent_emb'][ids['c_ids']]
    node_emb = jnp.stack([a, ev, b, c], axis=1)  # [B,4,EMB]
    N = B * 4
    base = jnp.arange(B) * 4
    A, E, Bi, Ci = base, base + 1, base + 2, base + 3
    src = jnp.concatenate([A, E, E, Bi, Bi, Ci])
    dst = jnp.concatenate([E, A, Bi, E, Ci, Bi])
    edge = jnp.stack([src, dst], axis=1)
    etypes = jnp.repeat(jnp.arange(6), B)
    edge_feat = jax.nn.one_hot(etypes, 8, dtype=jnp.float32)
    # AB segment: project node embeddings, run GNN on full path, predict rel_AB
    x_ab = jax.nn.relu(_lin(node_emb.reshape(N, EMB), p['proj_ab_W'], p['proj_ab_b']))
    p_ab = {k[3:]: v for k, v in p.items() if k.startswith('ab_')}
    s_ab = _gnn_layer(x_ab, edge, edge_feat, p_ab).reshape(B, 4, HID)
    h_ab = s_ab[:, 0] - s_ab[:, 2]
    logits_ab = _lin(jax.nn.relu(_lin(h_ab, p['head_ab_W1'], p['head_ab_b1'])), p['head_ab_W2'], p['head_ab_b2'])
    # BC segment: rel_AB prediction used only as conditioning input (not propagated)
    rel_pred = jnp.argmax(logits_ab, axis=-1)
    r = p['rel_emb'][rel_pred]
    r4 = jnp.broadcast_to(r[:, None, :], (B, 4, EMB))
    x_bc_in = jnp.concatenate([node_emb, r4], axis=-1).reshape(N, 2 * EMB)
    x_bc = jax.nn.relu(_lin(x_bc_in, p['proj_bc_W'], p['proj_bc_b']))
    p_bc = {k[3:]: v for k, v in p.items() if k.startswith('bc_')}
    s_bc = _gnn_layer(x_bc, edge, edge_feat, p_bc).reshape(B, 4, HID)
    h_bc = s_bc[:, 2] - s_bc[:, 3]
    logits_bc = _lin(jax.nn.relu(_lin(h_bc, p['head_bc_W1'], p['head_bc_b1'])), p['head_bc_W2'], p['head_bc_b2'])
    return logits_ab, logits_bc

def setup_inputs(seed: int = 0) -> dict:
    key = jax.random.key(seed)
    ks = iter(jax.random.split(key, 64))
    def rn(shape, s=0.02):
        return jax.random.normal(next(ks), shape, dtype=jnp.float32) * s
    inp = {}
    inp['a_ids'] = jax.random.randint(next(ks), (B,), 0, NUM_ENT)
    inp['event_ids'] = jax.random.randint(next(ks), (B,), 0, NUM_ENT)
    inp['b_ids'] = jax.random.randint(next(ks), (B,), 0, NUM_ENT)
    inp['c_ids'] = jax.random.randint(next(ks), (B,), 0, NUM_ENT)
    inp['ent_emb'] = rn((NUM_ENT, EMB))
    inp['rel_emb'] = rn((NUM_REL, EMB))
    inp['proj_ab_W'] = rn((HID, EMB)); inp['proj_ab_b'] = jnp.zeros((HID,), jnp.float32)
    inp['proj_bc_W'] = rn((HID, 2 * EMB)); inp['proj_bc_b'] = jnp.zeros((HID,), jnp.float32)
    for pre in ('ab_', 'bc_'):
        inp[pre + 'msg_W1'] = rn((HID, HID + 8)); inp[pre + 'msg_b1'] = jnp.zeros((HID,), jnp.float32)
        inp[pre + 'msg_W2'] = rn((HID, HID)); inp[pre + 'msg_b2'] = jnp.zeros((HID,), jnp.float32)
        inp[pre + 'att_W1'] = rn((HID // 2, HID + 8)); inp[pre + 'att_b1'] = jnp.zeros((HID // 2,), jnp.float32)
        inp[pre + 'att_W2'] = rn((HID, HID // 2)); inp[pre + 'att_b2'] = jnp.zeros((HID,), jnp.float32)
        inp[pre + 'gru_Wih'] = rn((3 * HID, HID)); inp[pre + 'gru_Whh'] = rn((3 * HID, HID))
        inp[pre + 'gru_bih'] = jnp.zeros((3 * HID,), jnp.float32); inp[pre + 'gru_bhh'] = jnp.zeros((3 * HID,), jnp.float32)
    inp['head_ab_W1'] = rn((HID, HID)); inp['head_ab_b1'] = jnp.zeros((HID,), jnp.float32)
    inp['head_ab_W2'] = rn((NUM_REL, HID)); inp['head_ab_b2'] = jnp.zeros((NUM_REL,), jnp.float32)
    inp['head_bc_W1'] = rn((HID, HID)); inp['head_bc_b1'] = jnp.zeros((HID,), jnp.float32)
    inp['head_bc_W2'] = rn((NUM_REL, HID)); inp['head_bc_b2'] = jnp.zeros((NUM_REL,), jnp.float32)
    return inp

def reference(a_ids, event_ids, b_ids, c_ids, ent_emb, rel_emb,
              proj_ab_W, proj_ab_b, proj_bc_W, proj_bc_b,
              ab_msg_W1, ab_msg_b1, ab_msg_W2, ab_msg_b2,
              ab_att_W1, ab_att_b1, ab_att_W2, ab_att_b2,
              ab_gru_Wih, ab_gru_Whh, ab_gru_bih, ab_gru_bhh,
              bc_msg_W1, bc_msg_b1, bc_msg_W2, bc_msg_b2,
              bc_att_W1, bc_att_b1, bc_att_W2, bc_att_b2,
              bc_gru_Wih, bc_gru_Whh, bc_gru_bih, bc_gru_bhh,
              head_ab_W1, head_ab_b1, head_ab_W2, head_ab_b2,
              head_bc_W1, head_bc_b1, head_bc_W2, head_bc_b2):
    kw = dict(locals())
    ids = {k: kw[k] for k in ('a_ids', 'event_ids', 'b_ids', 'c_ids')}
    p = {k: v for k, v in kw.items() if k not in ids}
    logits_ab, logits_bc = _forward(p, ids)
    return logits_ab, logits_bc

if __name__ == "__main__":
    import jax
    _d = setup_inputs()
    print(jax.jit(kernel)(*tuple(_d.values())))

</pallas_src>

<mosaic_0001>
#map = affine_map<(d0, d1) -> (0)>
#map1 = affine_map<(d0, d1) -> (0, 0)>
module attributes {stable_mosaic.version = 14 : i64} {
  func.func @_sc_gather(%arg0: i32, %arg1: i32, %arg2: memref<65536xi32, #tpu.memory_space<hbm>>, %arg3: memref<1000000x64xf32, #tpu.memory_space<hbm>>, %arg4: memref<65536x64xf32, #tpu.memory_space<hbm>>, %arg5: memref<2048xi32, #tpu.memory_space<vmem>>, %arg6: memref<2x512x64xf32, #tpu.memory_space<vmem>>, %arg7: memref<!tpu.dma_semaphore, #tpu.memory_space<semaphore_mem>>, %arg8: memref<!tpu.dma_semaphore, #tpu.memory_space<semaphore_mem>>) attributes {dimension_semantics = [#tpu.dimension_semantics<core_parallel>, #tpu.dimension_semantics<subcore_parallel>], iteration_bounds = array<i64: 2, 16>, scalar_prefetch = 0 : i64, scratch_operands = 4 : i64, tpu.core_type = #tpu.core_type<sc_vector_subcore>, window_params = [{transform_indices = #map}, {transform_indices = #map1}, {transform_indices = #map1}]} {
    %mul3A = arith.constant 2 : i32
    %mul3A_0 = arith.muli %arg1, %mul3A : i32
    %add3A = arith.addi %mul3A_0, %arg0 : i32
    %mul3A_1 = arith.constant 2048 : i32
    %mul3A_2 = arith.muli %add3A, %mul3A_1 : i32
    "tpu.region"() ({
      %run_scoped3A_92 = tpu.sem_alloc : memref<!tpu.dma_semaphore, #tpu.memory_space<semaphore_mem>>
      %dma_start3A_93 = tpu.memref_slice %arg2[%mul3A_2] : memref<65536xi32, #tpu.memory_space<hbm>> -> memref<2048xi32, #tpu.memory_space<hbm>>
      %dma_start3A_94 = tpu.memref_slice %arg2[%mul3A_2] : memref<65536xi32, #tpu.memory_space<hbm>> -> memref<2048xi32, #tpu.memory_space<hbm>>
      tpu.enqueue_dma source(%dma_start3A_94 : memref<2048xi32, #tpu.memory_space<hbm>>) target(%arg5 : memref<2048xi32, #tpu.memory_space<vmem>>) target_semaphore(%run_scoped3A_92 : memref<!tpu.dma_semaphore, #tpu.memory_space<semaphore_mem>>)
      %dma_wait3A_95 = tpu.memref_slice %arg2[%mul3A_2] : memref<65536xi32, #tpu.memory_space<hbm>> -> memref<2048xi32, #tpu.memory_space<hbm>>
      %dma_wait3A_96 = tpu.memref_slice %arg2[%mul3A_2] : memref<65536xi32, #tpu.memory_space<hbm>> -> memref<2048xi32, #tpu.memory_space<hbm>>
      tpu.wait_dma2 semaphore(%run_scoped3A_92 : memref<!tpu.dma_semaphore, #tpu.memory_space<semaphore_mem>>) src(%dma_wait3A_96 : memref<2048xi32, #tpu.memory_space<hbm>>) dst(%arg5 : memref<2048xi32, #tpu.memory_space<vmem>>)
      tpu.yield
    }) : () -> ()
    %dma_start3A = arith.constant 0 : i32
    %dma_start3A_3 = arith.constant 0 : i32
    %dma_start3A_4 = arith.constant 0 : i32
    %dma_start3A_5 = tpu.memref_slice %arg6[%dma_start3A, %dma_start3A_3, %dma_start3A_4] : memref<2x512x64xf32, #tpu.memory_space<vmem>> -> memref<1x512x64xf32, #tpu.memory_space<vmem>>
    %dma_start3A_6 = tpu.memref_squeeze %dma_start3A_5 : memref<1x512x64xf32, #tpu.memory_space<vmem>> -> memref<512x64xf32, #tpu.memory_space<vmem>>
    %dma_start3A_7 = arith.constant 0 : i32
    %dma_start3A_8 = tpu.memref_slice %arg5[%dma_start3A_7] : memref<2048xi32, #tpu.memory_space<vmem>> -> memref<512xi32, #tpu.memory_space<vmem>>
    %dma_start3A_9 = arith.constant 0 : i32
    %dma_start3A_10 = arith.constant 0 : i32
    %dma_start3A_11 = tpu.memref_slice %arg3[%dma_start3A_9, %dma_start3A_10] : memref<1000000x64xf32, #tpu.memory_space<hbm>> -> memref<1000000x64xf32, #tpu.memory_space<hbm>>
    tpu.enqueue_indirect_dma source(%dma_start3A_11 : memref<1000000x64xf32, #tpu.memory_space<hbm>>) target(%dma_start3A_6 : memref<512x64xf32, #tpu.memory_space<vmem>>) offsets(%dma_start3A_8 : memref<512xi32, #tpu.memory_space<vmem>>) semaphore(%arg7 : memref<!tpu.dma_semaphore, #tpu.memory_space<semaphore_mem>>)
    %dma_start3A_12 = arith.constant 1 : i32
    %dma_start3A_13 = arith.constant 0 : i32
    %dma_start3A_14 = arith.constant 0 : i32
    %dma_start3A_15 = tpu.memref_slice %arg6[%dma_start3A_12, %dma_start3A_13, %dma_start3A_14] : memref<2x512x64xf32, #tpu.memory_space<vmem>> -> memref<1x512x64xf32, #tpu.memory_space<vmem>>
    %dma_start3A_16 = tpu.memref_squeeze %dma_start3A_15 : memref<1x512x64xf32, #tpu.memory_space<vmem>> -> memref<512x64xf32, #tpu.memory_space<vmem>>
    %dma_start3A_17 = arith.constant 512 : i32
    %dma_start3A_18 = tpu.memref_slice %arg5[%dma_start3A_17] : memref<2048xi32, #tpu.memory_space<vmem>> -> memref<512xi32, #tpu.memory_space<vmem>>
    %dma_start3A_19 = arith.constant 0 : i32
    %dma_start3A_20 = arith.constant 0 : i32
    %dma_start3A_21 = tpu.memref_slice %arg3[%dma_start3A_19, %dma_start3A_20] : memref<1000000x64xf32, #tpu.memory_space<hbm>> -> memref<1000000x64xf32, #tpu.memory_space<hbm>>
    tpu.enqueue_indirect_dma source(%dma_start3A_21 : memref<1000000x64xf32, #tpu.memory_space<hbm>>) target(%dma_start3A_16 : memref<512x64xf32, #tpu.memory_space<vmem>>) offsets(%dma_start3A_18 : memref<512xi32, #tpu.memory_space<vmem>>) semaphore(%arg8 : memref<!tpu.dma_semaphore, #tpu.memory_space<semaphore_mem>>)
    %dma_wait3A = arith.constant 0 : i32
    %dma_wait3A_22 = arith.constant 0 : i32
    %dma_wait3A_23 = arith.constant 0 : i32
    %dma_wait3A_24 = tpu.memref_slice %arg6[%dma_wait3A, %dma_wait3A_22, %dma_wait3A_23] : memref<2x512x64xf32, #tpu.memory_space<vmem>> -> memref<1x512x64xf32, #tpu.memory_space<vmem>>
    %dma_wait3A_25 = tpu.memref_squeeze %dma_wait3A_24 : memref<1x512x64xf32, #tpu.memory_space<vmem>> -> memref<512x64xf32, #tpu.memory_space<vmem>>
    %dma_wait3A_26 = arith.constant 0 : i32
    %dma_wait3A_27 = tpu.memref_slice %arg5[%dma_wait3A_26] : memref<2048xi32, #tpu.memory_space<vmem>> -> memref<512xi32, #tpu.memory_space<vmem>>
    %dma_wait3A_28 = arith.constant 0 : i32
    %dma_wait3A_29 = arith.constant 0 : i32
    %dma_wait3A_30 = tpu.memref_slice %arg3[%dma_wait3A_28, %dma_wait3A_29] : memref<1000000x64xf32, #tpu.memory_space<hbm>> -> memref<1000000x64xf32, #tpu.memory_space<hbm>>
    tpu.wait_indirect_dma semaphore(%arg7 : memref<!tpu.dma_semaphore, #tpu.memory_space<semaphore_mem>>) src(%dma_wait3A_30 : memref<1000000x64xf32, #tpu.memory_space<hbm>>) dst(%dma_wait3A_25 : memref<512x64xf32, #tpu.memory_space<vmem>>)
    %add3A_31 = arith.constant 0 : i32
    %add3A_32 = arith.addi %mul3A_2, %add3A_31 : i32
    %run_scoped3A = arith.constant 0 : i32
    "tpu.region"() ({
      %run_scoped3A_92 = tpu.sem_alloc : memref<!tpu.dma_semaphore, #tpu.memory_space<semaphore_mem>>
      %dma_start3A_93 = arith.constant 0 : i32
      %dma_start3A_94 = arith.constant 0 : i32
      %dma_start3A_95 = tpu.memref_slice %arg6[%run_scoped3A, %dma_start3A_93, %dma_start3A_94] : memref<2x512x64xf32, #tpu.memory_space<vmem>> -> memref<1x512x64xf32, #tpu.memory_space<vmem>>
      %dma_start3A_96 = tpu.memref_squeeze %dma_start3A_95 : memref<1x512x64xf32, #tpu.memory_space<vmem>> -> memref<512x64xf32, #tpu.memory_space<vmem>>
      %dma_start3A_97 = arith.constant 0 : i32
      %dma_start3A_98 = tpu.memref_slice %arg4[%add3A_32, %dma_start3A_97] : memref<65536x64xf32, #tpu.memory_space<hbm>> -> memref<512x64xf32, #tpu.memory_space<hbm>>
      %dma_start3A_99 = arith.constant 0 : i32
      %dma_start3A_100 = tpu.memref_slice %arg4[%add3A_32, %dma_start3A_99] : memref<65536x64xf32, #tpu.memory_space<hbm>> -> memref<512x64xf32, #tpu.memory_space<hbm>>
      %dma_start3A_101 = arith.constant 0 : i32
      %dma_start3A_102 = arith.constant 0 : i32
      %dma_start3A_103 = tpu.memref_slice %arg6[%run_scoped3A, %dma_start3A_101, %dma_start3A_102] : memref<2x512x64xf32, #tpu.memory_space<vmem>> -> memref<1x512x64xf32, #tpu.memory_space<vmem>>
      %dma_start3A_104 = tpu.memref_squeeze %dma_start3A_103 : memref<1x512x64xf32, #tpu.memory_space<vmem>> -> memref<512x64xf32, #tpu.memory_space<vmem>>
      tpu.enqueue_dma source(%dma_start3A_104 : memref<512x64xf32, #tpu.memory_space<vmem>>) target(%dma_start3A_100 : memref<512x64xf32, #tpu.memory_space<hbm>>) target_semaphore(%run_scoped3A_92 : memref<!tpu.dma_semaphore, #tpu.memory_space<semaphore_mem>>)
      %dma_wait3A_105 = arith.constant 0 : i32
      %dma_wait3A_106 = arith.constant 0 : i32
      %dma_wait3A_107 = tpu.memref_slice %arg6[%run_scoped3A, %dma_wait3A_105, %dma_wait3A_106] : memref<2x512x64xf32, #tpu.memory_space<vmem>> -> memref<1x512x64xf32, #tpu.memory_space<vmem>>
      %dma_wait3A_108 = tpu.memref_squeeze %dma_wait3A_107 : memref<1x512x64xf32, #tpu.memory_space<vmem>> -> memref<512x64xf32, #tpu.memory_space<vmem>>
      %dma_wait3A_109 = arith.constant 0 : i32
      %dma_wait3A_110 = tpu.memref_slice %arg4[%add3A_32, %dma_wait3A_109] : memref<65536x64xf32, #tpu.memory_space<hbm>> -> memref<512x64xf32, #tpu.memory_space<hbm>>
      %dma_wait3A_111 = arith.constant 0 : i32
      %dma_wait3A_112 = tpu.memref_slice %arg4[%add3A_32, %dma_wait3A_111] : memref<65536x64xf32, #tpu.memory_space<hbm>> -> memref<512x64xf32, #tpu.memory_space<hbm>>
      %dma_wait3A_113 = arith.constant 0 : i32
      %dma_wait3A_114 = arith.constant 0 : i32
      %dma_wait3A_115 = tpu.memref_slice %arg6[%run_scoped3A, %dma_wait3A_113, %dma_wait3A_114] : memref<2x512x64xf32, #tpu.memory_space<vmem>> -> memref<1x512x64xf32, #tpu.memory_space<vmem>>
      %dma_wait3A_116 = tpu.memref_squeeze %dma_wait3A_115 : memref<1x512x64xf32, #tpu.memory_space<vmem>> -> memref<512x64xf32, #tpu.memory_space<vmem>>
      tpu.wait_dma2 semaphore(%run_scoped3A_92 : memref<!tpu.dma_semaphore, #tpu.memory_space<semaphore_mem>>) src(%dma_wait3A_116 : memref<512x64xf32, #tpu.memory_space<vmem>>) dst(%dma_wait3A_112 : memref<512x64xf32, #tpu.memory_space<hbm>>)
      tpu.yield
    }) : () -> ()
    %dma_start3A_33 = arith.constant 0 : i32
    %dma_start3A_34 = arith.constant 0 : i32
    %dma_start3A_35 = arith.constant 0 : i32
    %dma_start3A_36 = tpu.memref_slice %arg6[%dma_start3A_33, %dma_start3A_34, %dma_start3A_35] : memref<2x512x64xf32, #tpu.memory_space<vmem>> -> memref<1x512x64xf32, #tpu.memory_space<vmem>>
    %dma_start3A_37 = tpu.memref_squeeze %dma_start3A_36 : memref<1x512x64xf32, #tpu.memory_space<vmem>> -> memref<512x64xf32, #tpu.memory_space<vmem>>
    %dma_start3A_38 = arith.constant 1024 : i32
    %dma_start3A_39 = tpu.memref_slice %arg5[%dma_start3A_38] : memref<2048xi32, #tpu.memory_space<vmem>> -> memref<512xi32, #tpu.memory_space<vmem>>
    %dma_start3A_40 = arith.constant 0 : i32
    %dma_start3A_41 = arith.constant 0 : i32
    %dma_start3A_42 = tpu.memref_slice %arg3[%dma_start3A_40, %dma_start3A_41] : memref<1000000x64xf32, #tpu.memory_space<hbm>> -> memref<1000000x64xf32, #tpu.memory_space<hbm>>
    tpu.enqueue_indirect_dma source(%dma_start3A_42 : memref<1000000x64xf32, #tpu.memory_space<hbm>>) target(%dma_start3A_37 : memref<512x64xf32, #tpu.memory_space<vmem>>) offsets(%dma_start3A_39 : memref<512xi32, #tpu.memory_space<vmem>>) semaphore(%arg7 : memref<!tpu.dma_semaphore, #tpu.memory_space<semaphore_mem>>)
    %dma_wait3A_43 = arith.constant 1 : i32
    %dma_wait3A_44 = arith.constant 0 : i32
    %dma_wait3A_45 = arith.constant 0 : i32
    %dma_wait3A_46 = tpu.memref_slice %arg6[%dma_wait3A_43, %dma_wait3A_44, %dma_wait3A_45] : memref<2x512x64xf32, #tpu.memory_space<vmem>> -> memref<1x512x64xf32, #tpu.memory_space<vmem>>
    %dma_wait3A_47 = tpu.memref_squeeze %dma_wait3A_46 : memref<1x512x64xf32, #tpu.memory_space<vmem>> -> memref<512x64xf32, #tpu.memory_space<vmem>>
    %dma_wait3A_48 = arith.constant 512 : i32
    %dma_wait3A_49 = tpu.memref_slice %arg5[%dma_wait3A_48] : memref<2048xi32, #tpu.memory_space<vmem>> -> memref<512xi32, #tpu.memory_space<vmem>>
    %dma_wait3A_50 = arith.constant 0 : i32
    %dma_wait3A_51 = arith.constant 0 : i32
    %dma_wait3A_52 = tpu.memref_slice %arg3[%dma_wait3A_50, %dma_wait3A_51] : memref<1000000x64xf32, #tpu.memory_space<hbm>> -> memref<1000000x64xf32, #tpu.memory_space<hbm>>
    tpu.wait_indirect_dma semaphore(%arg8 : memref<!tpu.dma_semaphore, #tpu.memory_space<semaphore_mem>>) src(%dma_wait3A_52 : memref<1000000x64xf32, #tpu.memory_space<hbm>>) dst(%dma_wait3A_47 : memref<512x64xf32, #tpu.memory_space<vmem>>)
    %add3A_53 = arith.constant 512 : i32
    %add3A_54 = arith.addi %mul3A_2, %add3A_53 : i32
    %run_scoped3A_55 = arith.constant 1 : i32
    "tpu.region"() ({
      %run_scoped3A_92 = tpu.sem_alloc : memref<!tpu.dma_semaphore, #tpu.memory_space<semaphore_mem>>
      %dma_start3A_93 = arith.constant 0 : i32
      %dma_start3A_94 = arith.constant 0 : i32
      %dma_start3A_95 = tpu.memref_slice %arg6[%run_scoped3A_55, %dma_start3A_93, %dma_start3A_94] : memref<2x512x64xf32, #tpu.memory_space<vmem>> -> memref<1x512x64xf32, #tpu.memory_space<vmem>>
      %dma_start3A_96 = tpu.memref_squeeze %dma_start3A_95 : memref<1x512x64xf32, #tpu.memory_space<vmem>> -> memref<512x64xf32, #tpu.memory_space<vmem>>
      %dma_start3A_97 = arith.constant 0 : i32
      %dma_start3A_98 = tpu.memref_slice %arg4[%add3A_54, %dma_start3A_97] : memref<65536x64xf32, #tpu.memory_space<hbm>> -> memref<512x64xf32, #tpu.memory_space<hbm>>
      %dma_start3A_99 = arith.constant 0 : i32
      %dma_start3A_100 = tpu.memref_slice %arg4[%add3A_54, %dma_start3A_99] : memref<65536x64xf32, #tpu.memory_space<hbm>> -> memref<512x64xf32, #tpu.memory_space<hbm>>
      %dma_start3A_101 = arith.constant 0 : i32
      %dma_start3A_102 = arith.constant 0 : i32
      %dma_start3A_103 = tpu.memref_slice %arg6[%run_scoped3A_55, %dma_start3A_101, %dma_start3A_102] : memref<2x512x64xf32, #tpu.memory_space<vmem>> -> memref<1x512x64xf32, #tpu.memory_space<vmem>>
      %dma_start3A_104 = tpu.memref_squeeze %dma_start3A_103 : memref<1x512x64xf32, #tpu.memory_space<vmem>> -> memref<512x64xf32, #tpu.memory_space<vmem>>
      tpu.enqueue_dma source(%dma_start3A_104 : memref<512x64xf32, #tpu.memory_space<vmem>>) target(%dma_start3A_100 : memref<512x64xf32, #tpu.memory_space<hbm>>) target_semaphore(%run_scoped3A_92 : memref<!tpu.dma_semaphore, #tpu.memory_space<semaphore_mem>>)
      %dma_wait3A_105 = arith.constant 0 : i32
      %dma_wait3A_106 = arith.constant 0 : i32
      %dma_wait3A_107 = tpu.memref_slice %arg6[%run_scoped3A_55, %dma_wait3A_105, %dma_wait3A_106] : memref<2x512x64xf32, #tpu.memory_space<vmem>> -> memref<1x512x64xf32, #tpu.memory_space<vmem>>
      %dma_wait3A_108 = tpu.memref_squeeze %dma_wait3A_107 : memref<1x512x64xf32, #tpu.memory_space<vmem>> -> memref<512x64xf32, #tpu.memory_space<vmem>>
      %dma_wait3A_109 = arith.constant 0 : i32
      %dma_wait3A_110 = tpu.memref_slice %arg4[%add3A_54, %dma_wait3A_109] : memref<65536x64xf32, #tpu.memory_space<hbm>> -> memref<512x64xf32, #tpu.memory_space<hbm>>
      %dma_wait3A_111 = arith.constant 0 : i32
      %dma_wait3A_112 = tpu.memref_slice %arg4[%add3A_54, %dma_wait3A_111] : memref<65536x64xf32, #tpu.memory_space<hbm>> -> memref<512x64xf32, #tpu.memory_space<hbm>>
      %dma_wait3A_113 = arith.constant 0 : i32
      %dma_wait3A_114 = arith.constant 0 : i32
      %dma_wait3A_115 = tpu.memref_slice %arg6[%run_scoped3A_55, %dma_wait3A_113, %dma_wait3A_114] : memref<2x512x64xf32, #tpu.memory_space<vmem>> -> memref<1x512x64xf32, #tpu.memory_space<vmem>>
      %dma_wait3A_116 = tpu.memref_squeeze %dma_wait3A_115 : memref<1x512x64xf32, #tpu.memory_space<vmem>> -> memref<512x64xf32, #tpu.memory_space<vmem>>
      tpu.wait_dma2 semaphore(%run_scoped3A_92 : memref<!tpu.dma_semaphore, #tpu.memory_space<semaphore_mem>>) src(%dma_wait3A_116 : memref<512x64xf32, #tpu.memory_space<vmem>>) dst(%dma_wait3A_112 : memref<512x64xf32, #tpu.memory_space<hbm>>)
      tpu.yield
    }) : () -> ()
    %dma_start3A_56 = arith.constant 1 : i32
    %dma_start3A_57 = arith.constant 0 : i32
    %dma_start3A_58 = arith.constant 0 : i32
    %dma_start3A_59 = tpu.memref_slice %arg6[%dma_start3A_56, %dma_start3A_57, %dma_start3A_58] : memref<2x512x64xf32, #tpu.memory_space<vmem>> -> memref<1x512x64xf32, #tpu.memory_space<vmem>>
    %dma_start3A_60 = tpu.memref_squeeze %dma_start3A_59 : memref<1x512x64xf32, #tpu.memory_space<vmem>> -> memref<512x64xf32, #tpu.memory_space<vmem>>
    %dma_start3A_61 = arith.constant 1536 : i32
    %dma_start3A_62 = tpu.memref_slice %arg5[%dma_start3A_61] : memref<2048xi32, #tpu.memory_space<vmem>> -> memref<512xi32, #tpu.memory_space<vmem>>
    %dma_start3A_63 = arith.constant 0 : i32
    %dma_start3A_64 = arith.constant 0 : i32
    %dma_start3A_65 = tpu.memref_slice %arg3[%dma_start3A_63, %dma_start3A_64] : memref<1000000x64xf32, #tpu.memory_space<hbm>> -> memref<1000000x64xf32, #tpu.memory_space<hbm>>
    tpu.enqueue_indirect_dma source(%dma_start3A_65 : memref<1000000x64xf32, #tpu.memory_space<hbm>>) target(%dma_start3A_60 : memref<512x64xf32, #tpu.memory_space<vmem>>) offsets(%dma_start3A_62 : memref<512xi32, #tpu.memory_space<vmem>>) semaphore(%arg8 : memref<!tpu.dma_semaphore, #tpu.memory_space<semaphore_mem>>)
    %dma_wait3A_66 = arith.constant 0 : i32
    %dma_wait3A_67 = arith.constant 0 : i32
    %dma_wait3A_68 = arith.constant 0 : i32
    %dma_wait3A_69 = tpu.memref_slice %arg6[%dma_wait3A_66, %dma_wait3A_67, %dma_wait3A_68] : memref<2x512x64xf32, #tpu.memory_space<vmem>> -> memref<1x512x64xf32, #tpu.memory_space<vmem>>
    %dma_wait3A_70 = tpu.memref_squeeze %dma_wait3A_69 : memref<1x512x64xf32, #tpu.memory_space<vmem>> -> memref<512x64xf32, #tpu.memory_space<vmem>>
    %dma_wait3A_71 = arith.constant 1024 : i32
    %dma_wait3A_72 = tpu.memref_slice %arg5[%dma_wait3A_71] : memref<2048xi32, #tpu.memory_space<vmem>> -> memref<512xi32, #tpu.memory_space<vmem>>
    %dma_wait3A_73 = arith.constant 0 : i32
    %dma_wait3A_74 = arith.constant 0 : i32
    %dma_wait3A_75 = tpu.memref_slice %arg3[%dma_wait3A_73, %dma_wait3A_74] : memref<1000000x64xf32, #tpu.memory_space<hbm>> -> memref<1000000x64xf32, #tpu.memory_space<hbm>>
    tpu.wait_indirect_dma semaphore(%arg7 : memref<!tpu.dma_semaphore, #tpu.memory_space<semaphore_mem>>) src(%dma_wait3A_75 : memref<1000000x64xf32, #tpu.memory_space<hbm>>) dst(%dma_wait3A_70 : memref<512x64xf32, #tpu.memory_space<vmem>>)
    %add3A_76 = arith.constant 1024 : i32
    %add3A_77 = arith.addi %mul3A_2, %add3A_76 : i32
    %run_scoped3A_78 = arith.constant 0 : i32
    "tpu.region"() ({
      %run_scoped3A_92 = tpu.sem_alloc : memref<!tpu.dma_semaphore, #tpu.memory_space<semaphore_mem>>
      %dma_start3A_93 = arith.constant 0 : i32
      %dma_start3A_94 = arith.constant 0 : i32
      %dma_start3A_95 = tpu.memref_slice %arg6[%run_scoped3A_78, %dma_start3A_93, %dma_start3A_94] : memref<2x512x64xf32, #tpu.memory_space<vmem>> -> memref<1x512x64xf32, #tpu.memory_space<vmem>>
      %dma_start3A_96 = tpu.memref_squeeze %dma_start3A_95 : memref<1x512x64xf32, #tpu.memory_space<vmem>> -> memref<512x64xf32, #tpu.memory_space<vmem>>
      %dma_start3A_97 = arith.constant 0 : i32
      %dma_start3A_98 = tpu.memref_slice %arg4[%add3A_77, %dma_start3A_97] : memref<65536x64xf32, #tpu.memory_space<hbm>> -> memref<512x64xf32, #tpu.memory_space<hbm>>
      %dma_start3A_99 = arith.constant 0 : i32
      %dma_start3A_100 = tpu.memref_slice %arg4[%add3A_77, %dma_start3A_99] : memref<65536x64xf32, #tpu.memory_space<hbm>> -> memref<512x64xf32, #tpu.memory_space<hbm>>
      %dma_start3A_101 = arith.constant 0 : i32
      %dma_start3A_102 = arith.constant 0 : i32
      %dma_start3A_103 = tpu.memref_slice %arg6[%run_scoped3A_78, %dma_start3A_101, %dma_start3A_102] : memref<2x512x64xf32, #tpu.memory_space<vmem>> -> memref<1x512x64xf32, #tpu.memory_space<vmem>>
      %dma_start3A_104 = tpu.memref_squeeze %dma_start3A_103 : memref<1x512x64xf32, #tpu.memory_space<vmem>> -> memref<512x64xf32, #tpu.memory_space<vmem>>
      tpu.enqueue_dma source(%dma_start3A_104 : memref<512x64xf32, #tpu.memory_space<vmem>>) target(%dma_start3A_100 : memref<512x64xf32, #tpu.memory_space<hbm>>) target_semaphore(%run_scoped3A_92 : memref<!tpu.dma_semaphore, #tpu.memory_space<semaphore_mem>>)
      %dma_wait3A_105 = arith.constant 0 : i32
      %dma_wait3A_106 = arith.constant 0 : i32
      %dma_wait3A_107 = tpu.memref_slice %arg6[%run_scoped3A_78, %dma_wait3A_105, %dma_wait3A_106] : memref<2x512x64xf32, #tpu.memory_space<vmem>> -> memref<1x512x64xf32, #tpu.memory_space<vmem>>
      %dma_wait3A_108 = tpu.memref_squeeze %dma_wait3A_107 : memref<1x512x64xf32, #tpu.memory_space<vmem>> -> memref<512x64xf32, #tpu.memory_space<vmem>>
      %dma_wait3A_109 = arith.constant 0 : i32
      %dma_wait3A_110 = tpu.memref_slice %arg4[%add3A_77, %dma_wait3A_109] : memref<65536x64xf32, #tpu.memory_space<hbm>> -> memref<512x64xf32, #tpu.memory_space<hbm>>
      %dma_wait3A_111 = arith.constant 0 : i32
      %dma_wait3A_112 = tpu.memref_slice %arg4[%add3A_77, %dma_wait3A_111] : memref<65536x64xf32, #tpu.memory_space<hbm>> -> memref<512x64xf32, #tpu.memory_space<hbm>>
      %dma_wait3A_113 = arith.constant 0 : i32
      %dma_wait3A_114 = arith.constant 0 : i32
      %dma_wait3A_115 = tpu.memref_slice %arg6[%run_scoped3A_78, %dma_wait3A_113, %dma_wait3A_114] : memref<2x512x64xf32, #tpu.memory_space<vmem>> -> memref<1x512x64xf32, #tpu.memory_space<vmem>>
      %dma_wait3A_116 = tpu.memref_squeeze %dma_wait3A_115 : memref<1x512x64xf32, #tpu.memory_space<vmem>> -> memref<512x64xf32, #tpu.memory_space<vmem>>
      tpu.wait_dma2 semaphore(%run_scoped3A_92 : memref<!tpu.dma_semaphore, #tpu.memory_space<semaphore_mem>>) src(%dma_wait3A_116 : memref<512x64xf32, #tpu.memory_space<vmem>>) dst(%dma_wait3A_112 : memref<512x64xf32, #tpu.memory_space<hbm>>)
      tpu.yield
    }) : () -> ()
    %dma_wait3A_79 = arith.constant 1 : i32
    %dma_wait3A_80 = arith.constant 0 : i32
    %dma_wait3A_81 = arith.constant 0 : i32
    %dma_wait3A_82 = tpu.memref_slice %arg6[%dma_wait3A_79, %dma_wait3A_80, %dma_wait3A_81] : memref<2x512x64xf32, #tpu.memory_space<vmem>> -> memref<1x512x64xf32, #tpu.memory_space<vmem>>
    %dma_wait3A_83 = tpu.memref_squeeze %dma_wait3A_82 : memref<1x512x64xf32, #tpu.memory_space<vmem>> -> memref<512x64xf32, #tpu.memory_space<vmem>>
    %dma_wait3A_84 = arith.constant 1536 : i32
    %dma_wait3A_85 = tpu.memref_slice %arg5[%dma_wait3A_84] : memref<2048xi32, #tpu.memory_space<vmem>> -> memref<512xi32, #tpu.memory_space<vmem>>
    %dma_wait3A_86 = arith.constant 0 : i32
    %dma_wait3A_87 = arith.constant 0 : i32
    %dma_wait3A_88 = tpu.memref_slice %arg3[%dma_wait3A_86, %dma_wait3A_87] : memref<1000000x64xf32, #tpu.memory_space<hbm>> -> memref<1000000x64xf32, #tpu.memory_space<hbm>>
    tpu.wait_indirect_dma semaphore(%arg8 : memref<!tpu.dma_semaphore, #tpu.memory_space<semaphore_mem>>) src(%dma_wait3A_88 : memref<1000000x64xf32, #tpu.memory_space<hbm>>) dst(%dma_wait3A_83 : memref<512x64xf32, #tpu.memory_space<vmem>>)
    %add3A_89 = arith.constant 1536 : i32
    %add3A_90 = arith.addi %mul3A_2, %add3A_89 : i32
    %run_scoped3A_91 = arith.constant 1 : i32
    "tpu.region"() ({
      %run_scoped3A_92 = tpu.sem_alloc : memref<!tpu.dma_semaphore, #tpu.memory_space<semaphore_mem>>
      %dma_start3A_93 = arith.constant 0 : i32
      %dma_start3A_94 = arith.constant 0 : i32
      %dma_start3A_95 = tpu.memref_slice %arg6[%run_scoped3A_91, %dma_start3A_93, %dma_start3A_94] : memref<2x512x64xf32, #tpu.memory_space<vmem>> -> memref<1x512x64xf32, #tpu.memory_space<vmem>>
      %dma_start3A_96 = tpu.memref_squeeze %dma_start3A_95 : memref<1x512x64xf32, #tpu.memory_space<vmem>> -> memref<512x64xf32, #tpu.memory_space<vmem>>
      %dma_start3A_97 = arith.constant 0 : i32
      %dma_start3A_98 = tpu.memref_slice %arg4[%add3A_90, %dma_start3A_97] : memref<65536x64xf32, #tpu.memory_space<hbm>> -> memref<512x64xf32, #tpu.memory_space<hbm>>
      %dma_start3A_99 = arith.constant 0 : i32
      %dma_start3A_100 = tpu.memref_slice %arg4[%add3A_90, %dma_start3A_99] : memref<65536x64xf32, #tpu.memory_space<hbm>> -> memref<512x64xf32, #tpu.memory_space<hbm>>
      %dma_start3A_101 = arith.constant 0 : i32
      %dma_start3A_102 = arith.constant 0 : i32
      %dma_start3A_103 = tpu.memref_slice %arg6[%run_scoped3A_91, %dma_start3A_101, %dma_start3A_102] : memref<2x512x64xf32, #tpu.memory_space<vmem>> -> memref<1x512x64xf32, #tpu.memory_space<vmem>>
      %dma_start3A_104 = tpu.memref_squeeze %dma_start3A_103 : memref<1x512x64xf32, #tpu.memory_space<vmem>> -> memref<512x64xf32, #tpu.memory_space<vmem>>
      tpu.enqueue_dma source(%dma_start3A_104 : memref<512x64xf32, #tpu.memory_space<vmem>>) target(%dma_start3A_100 : memref<512x64xf32, #tpu.memory_space<hbm>>) target_semaphore(%run_scoped3A_92 : memref<!tpu.dma_semaphore, #tpu.memory_space<semaphore_mem>>)
      %dma_wait3A_105 = arith.constant 0 : i32
      %dma_wait3A_106 = arith.constant 0 : i32
      %dma_wait3A_107 = tpu.memref_slice %arg6[%run_scoped3A_91, %dma_wait3A_105, %dma_wait3A_106] : memref<2x512x64xf32, #tpu.memory_space<vmem>> -> memref<1x512x64xf32, #tpu.memory_space<vmem>>
      %dma_wait3A_108 = tpu.memref_squeeze %dma_wait3A_107 : memref<1x512x64xf32, #tpu.memory_space<vmem>> -> memref<512x64xf32, #tpu.memory_space<vmem>>
      %dma_wait3A_109 = arith.constant 0 : i32
      %dma_wait3A_110 = tpu.memref_slice %arg4[%add3A_90, %dma_wait3A_109] : memref<65536x64xf32, #tpu.memory_space<hbm>> -> memref<512x64xf32, #tpu.memory_space<hbm>>
      %dma_wait3A_111 = arith.constant 0 : i32
      %dma_wait3A_112 = tpu.memref_slice %arg4[%add3A_90, %dma_wait3A_111] : memref<65536x64xf32, #tpu.memory_space<hbm>> -> memref<512x64xf32, #tpu.memory_space<hbm>>
      %dma_wait3A_113 = arith.constant 0 : i32
      %dma_wait3A_114 = arith.constant 0 : i32
      %dma_wait3A_115 = tpu.memref_slice %arg6[%run_scoped3A_91, %dma_wait3A_113, %dma_wait3A_114] : memref<2x512x64xf32, #tpu.memory_space<vmem>> -> memref<1x512x64xf32, #tpu.memory_space<vmem>>
      %dma_wait3A_116 = tpu.memref_squeeze %dma_wait3A_115 : memref<1x512x64xf32, #tpu.memory_space<vmem>> -> memref<512x64xf32, #tpu.memory_space<vmem>>
      tpu.wait_dma2 semaphore(%run_scoped3A_92 : memref<!tpu.dma_semaphore, #tpu.memory_space<semaphore_mem>>) src(%dma_wait3A_116 : memref<512x64xf32, #tpu.memory_space<vmem>>) dst(%dma_wait3A_112 : memref<512x64xf32, #tpu.memory_space<hbm>>)
      tpu.yield
    }) : () -> ()
    return
  }
}

module attributes {stable_mosaic.version = 14 : i64} {
  func.func @_tc_body(%arg0: i32, %arg1: memref<4x1024x64xf32, #tpu.memory_space<vmem>>, %arg2: memref<16x64xf32, #tpu.memory_space<vmem>>, %arg3: memref<64x64xf32, #tpu.memory_space<vmem>>, %arg4: memref<1x64xf32, #tpu.memory_space<vmem>>, %arg5: memref<64x64xf32, #tpu.memory_space<vmem>>, %arg6: memref<64x64xf32, #tpu.memory_space<vmem>>, %arg7: memref<1x64xf32, #tpu.memory_space<vmem>>, %arg8: memref<64x96xf32, #tpu.memory_space<vmem>>, %arg9: memref<6144x96xf32, #tpu.memory_space<vmem>>, %arg10: memref<96x128xf32, #tpu.memory_space<vmem>>, %arg11: memref<1x64xf32, #tpu.memory_space<vmem>>, %arg12: memref<1x64xf32, #tpu.memory_space<vmem>>, %arg13: memref<128x256xf32, #tpu.memory_space<vmem>>, %arg14: memref<1x64xf32, #tpu.memory_space<vmem>>, %arg15: memref<1x64xf32, #tpu.memory_space<vmem>>, %arg16: memref<1x64xf32, #tpu.memory_space<vmem>>, %arg17: memref<1x64xf32, #tpu.memory_space<vmem>>, %arg18: memref<1x64xf32, #tpu.memory_space<vmem>>, %arg19: memref<1x64xf32, #tpu.memory_space<vmem>>, %arg20: memref<64x96xf32, #tpu.memory_space<vmem>>, %arg21: memref<6144x96xf32, #tpu.memory_space<vmem>>, %arg22: memref<96x128xf32, #tpu.memory_space<vmem>>, %arg23: memref<1x64xf32, #tpu.memory_space<vmem>>, %arg24: memref<1x64xf32, #tpu.memory_space<vmem>>, %arg25: memref<128x256xf32, #tpu.memory_space<vmem>>, %arg26: memref<1x64xf32, #tpu.memory_space<vmem>>, %arg27: memref<1x64xf32, #tpu.memory_space<vmem>>, %arg28: memref<1x64xf32, #tpu.memory_space<vmem>>, %arg29: memref<1x64xf32, #tpu.memory_space<vmem>>, %arg30: memref<1x64xf32, #tpu.memory_space<vmem>>, %arg31: memref<1x64xf32, #tpu.memory_space<vmem>>, %arg32: memref<64x64xf32, #tpu.memory_space<vmem>>, %arg33: memref<1x64xf32, #tpu.memory_space<vmem>>, %arg34: memref<64x16xf32, #tpu.memory_space<vmem>>, %arg35: memref<1x16xf32, #tpu.memory_space<vmem>>, %arg36: memref<64x64xf32, #tpu.memory_space<vmem>>, %arg37: memref<1x64xf32, #tpu.memory_space<vmem>>, %arg38: memref<64x16xf32, #tpu.memory_space<vmem>>, %arg39: memref<1x16xf32, #tpu.memory_space<vmem>>, %arg40: memref<1024x16xf32, #tpu.memory_space<vmem>>, %arg41: memref<1024x16xf32, #tpu.memory_space<vmem>>) attributes {dimension_semantics = [#tpu.dimension_semantics<arbitrary>], iteration_bounds = array<i64: 16>, scalar_prefetch = 0 : i64, scratch_operands = 0 : i64, tpu.core_type = #tpu.core_type<tc>, window_params = [{transform_indices = @transform_0, window_bounds = array<i64: 4, 1024, 64>}, {pipeline_mode = #tpu.pipeline_mode<synchronous>, transform_indices = @transform_1, window_bounds = array<i64: 16, 64>}, {pipeline_mode = #tpu.pipeline_mode<synchronous>, transform_indices = @transform_2, window_bounds = array<i64: 64, 64>}, {pipeline_mode = #tpu.pipeline_mode<synchronous>, transform_indices = @transform_3, window_bounds = array<i64: 1, 64>}, {pipeline_mode = #tpu.pipeline_mode<synchronous>, transform_indices = @transform_4, window_bounds = array<i64: 64, 64>}, {pipeline_mode = #tpu.pipeline_mode<synchronous>, transform_indices = @transform_5, window_bounds = array<i64: 64, 64>}, {pipeline_mode = #tpu.pipeline_mode<synchronous>, transform_indices = @transform_6, window_bounds = array<i64: 1, 64>}, {pipeline_mode = #tpu.pipeline_mode<synchronous>, transform_indices = @transform_7, window_bounds = array<i64: 64, 96>}, {pipeline_mode = #tpu.pipeline_mode<synchronous>, transform_indices = @transform_8, window_bounds = array<i64: 6144, 96>}, {pipeline_mode = #tpu.pipeline_mode<synchronous>, transform_indices = @transform_9, window_bounds = array<i64: 96, 128>}, {pipeline_mode = #tpu.pipeline_mode<synchronous>, transform_indices = @transform_10, window_bounds = array<i64: 1, 64>}, {pipeline_mode = #tpu.pipeline_mode<synchronous>, transform_indices = @transform_11, window_bounds = array<i64: 1, 64>}, {pipeline_mode = #tpu.pipeline_mode<synchronous>, transform_indices = @transform_12, window_bounds = array<i64: 128, 256>}, {pipeline_mode = #tpu.pipeline_mode<synchronous>, transform_indices = @transform_13, window_bounds = array<i64: 1, 64>}, {pipeline_mode = #tpu.pipeline_mode<synchronous>, transform_indices = @transform_14, window_bounds = array<i64: 1, 64>}, {pipeline_mode = #tpu.pipeline_mode<synchronous>, transform_indices = @transform_15, window_bounds = array<i64: 1, 64>}, {pipeline_mode = #tpu.pipeline_mode<synchronous>, transform_indices = @transform_16, window_bounds = array<i64: 1, 64>}, {pipeline_mode = #tpu.pipeline_mode<synchronous>, transform_indices = @transform_17, window_bounds = array<i64: 1, 64>}, {pipeline_mode = #tpu.pipeline_mode<synchronous>, transform_indices = @transform_18, window_bounds = array<i64: 1, 64>}, {pipeline_mode = #tpu.pipeline_mode<synchronous>, transform_indices = @transform_19, window_bounds = array<i64: 64, 96>}, {pipeline_mode = #tpu.pipeline_mode<synchronous>, transform_indices = @transform_20, window_bounds = array<i64: 6144, 96>}, {pipeline_mode = #tpu.pipeline_mode<synchronous>, transform_indices = @transform_21, window_bounds = array<i64: 96, 128>}, {pipeline_mode = #tpu.pipeline_mode<synchronous>, transform_indices = @transform_22, window_bounds = array<i64: 1, 64>}, {pipeline_mode = #tpu.pipeline_mode<synchronous>, transform_indices = @transform_23, window_bounds = array<i64: 1, 64>}, {pipeline_mode = #tpu.pipeline_mode<synchronous>, transform_indices = @transform_24, window_bounds = array<i64: 128, 256>}, {pipeline_mode = #tpu.pipeline_mode<synchronous>, transform_indices = @transform_25, window_bounds = array<i64: 1, 64>}, {pipeline_mode = #tpu.pipeline_mode<synchronous>, transform_indices = @transform_26, window_bounds = array<i64: 1, 64>}, {pipeline_mode = #tpu.pipeline_mode<synchronous>, transform_indices = @transform_27, window_bounds = array<i64: 1, 64>}, {pipeline_mode = #tpu.pipeline_mode<synchronous>, transform_indices = @transform_28, window_bounds = array<i64: 1, 64>}, {pipeline_mode = #tpu.pipeline_mode<synchronous>, transform_indices = @transform_29, window_bounds = array<i64: 1, 64>}, {pipeline_mode = #tpu.pipeline_mode<synchronous>, transform_indices = @transform_30, window_bounds = array<i64: 1, 64>}, {pipeline_mode = #tpu.pipeline_mode<synchronous>, transform_indices = @transform_31, window_bounds = array<i64: 64, 64>}, {pipeline_mode = #tpu.pipeline_mode<synchronous>, transform_indices = @transform_32, window_bounds = array<i64: 1, 64>}, {pipeline_mode = #tpu.pipeline_mode<synchronous>, transform_indices = @transform_33, window_bounds = array<i64: 64, 16>}, {pipeline_mode = #tpu.pipeline_mode<synchronous>, transform_indices = @transform_34, window_bounds = array<i64: 1, 16>}, {pipeline_mode = #tpu.pipeline_mode<synchronous>, transform_indices = @transform_35, window_bounds = array<i64: 64, 64>}, {pipeline_mode = #tpu.pipeline_mode<synchronous>, transform_indices = @transform_36, window_bounds = array<i64: 1, 64>}, {pipeline_mode = #tpu.pipeline_mode<synchronous>, transform_indices = @transform_37, window_bounds = array<i64: 64, 16>}, {pipeline_mode = #tpu.pipeline_mode<synchronous>, transform_indices = @transform_38, window_bounds = array<i64: 1, 16>}, {transform_indices = @transform_39, window_bounds = array<i64: 1024, 16>}, {transform_indices = @transform_40, window_bounds = array<i64: 1024, 16>}]} {
    %get3A = arith.constant 0 : index
    %get3A_0 = arith.constant 0 : index
    %get3A_1 = arith.constant 0 : index
    %get3A_2 = vector.load %arg1[%get3A, %get3A_0, %get3A_1] : memref<4x1024x64xf32, #tpu.memory_space<vmem>>, vector<4x1024x64xf32>
    %get3A_3 = arith.constant 0 : index
    %get3A_4 = arith.constant 0 : index
    %get3A_5 = vector.load %arg2[%get3A_3, %get3A_4] : memref<16x64xf32, #tpu.memory_space<vmem>>, vector<16x64xf32>
    %get3A_6 = arith.constant 0 : index
    %get3A_7 = arith.constant 0 : index
    %get3A_8 = vector.load %arg3[%get3A_6, %get3A_7] : memref<64x64xf32, #tpu.memory_space<vmem>>, vector<64x64xf32>
    %get3A_9 = arith.constant 0 : index
    %get3A_10 = arith.constant 0 : index
    %get3A_11 = vector.load %arg4[%get3A_9, %get3A_10] : memref<1x64xf32, #tpu.memory_space<vmem>>, vector<1x64xf32>
    %get3A_12 = arith.constant 0 : index
    %get3A_13 = arith.constant 0 : index
    %get3A_14 = vector.load %arg5[%get3A_12, %get3A_13] : memref<64x64xf32, #tpu.memory_space<vmem>>, vector<64x64xf32>
    %get3A_15 = arith.constant 0 : index
    %get3A_16 = arith.constant 0 : index
    %get3A_17 = vector.load %arg6[%get3A_15, %get3A_16] : memref<64x64xf32, #tpu.memory_space<vmem>>, vector<64x64xf32>
    %get3A_18 = arith.constant 0 : index
    %get3A_19 = arith.constant 0 : index
    %get3A_20 = vector.load %arg7[%get3A_18, %get3A_19] : memref<1x64xf32, #tpu.memory_space<vmem>>, vector<1x64xf32>
    %get3A_21 = arith.constant 0 : index
    %get3A_22 = arith.constant 0 : index
    %get3A_23 = vector.load %arg8[%get3A_21, %get3A_22] : memref<64x96xf32, #tpu.memory_space<vmem>>, vector<64x96xf32>
    %get3A_24 = arith.constant 0 : index
    %get3A_25 = arith.constant 0 : index
    %get3A_26 = vector.load %arg9[%get3A_24, %get3A_25] : memref<6144x96xf32, #tpu.memory_space<vmem>>, vector<6144x96xf32>
    %get3A_27 = arith.constant 0 : index
    %get3A_28 = arith.constant 0 : index
    %get3A_29 = vector.load %arg10[%get3A_27, %get3A_28] : memref<96x128xf32, #tpu.memory_space<vmem>>, vector<96x128xf32>
    %get3A_30 = arith.constant 0 : index
    %get3A_31 = arith.constant 0 : index
    %get3A_32 = vector.load %arg11[%get3A_30, %get3A_31] : memref<1x64xf32, #tpu.memory_space<vmem>>, vector<1x64xf32>
    %get3A_33 = arith.constant 0 : index
    %get3A_34 = arith.constant 0 : index
    %get3A_35 = vector.load %arg12[%get3A_33, %get3A_34] : memref<1x64xf32, #tpu.memory_space<vmem>>, vector<1x64xf32>
    %get3A_36 = arith.constant 0 : index
    %get3A_37 = arith.constant 0 : index
    %get3A_38 = vector.load %arg13[%get3A_36, %get3A_37] : memref<128x256xf32, #tpu.memory_space<vmem>>, vector<128x256xf32>
    %get3A_39 = arith.constant 0 : index
    %get3A_40 = arith.constant 0 : index
    %get3A_41 = vector.load %arg14[%get3A_39, %get3A_40] : memref<1x64xf32, #tpu.memory_space<vmem>>, vector<1x64xf32>
    %get3A_42 = arith.constant 0 : index
    %get3A_43 = arith.constant 0 : index
    %get3A_44 = vector.load %arg15[%get3A_42, %get3A_43] : memref<1x64xf32, #tpu.memory_space<vmem>>, vector<1x64xf32>
    %get3A_45 = arith.constant 0 : index
    %get3A_46 = arith.constant 0 : index
    %get3A_47 = vector.load %arg16[%get3A_45, %get3A_46] : memref<1x64xf32, #tpu.memory_space<vmem>>, vector<1x64xf32>
    %get3A_48 = arith.constant 0 : index
    %get3A_49 = arith.constant 0 : index
    %get3A_50 = vector.load %arg17[%get3A_48, %get3A_49] : memref<1x64xf32, #tpu.memory_space<vmem>>, vector<1x64xf32>
    %get3A_51 = arith.constant 0 : index
    %get3A_52 = arith.constant 0 : index
    %get3A_53 = vector.load %arg18[%get3A_51, %get3A_52] : memref<1x64xf32, #tpu.memory_space<vmem>>, vector<1x64xf32>
    %get3A_54 = arith.constant 0 : index
    %get3A_55 = arith.constant 0 : index
    %get3A_56 = vector.load %arg19[%get3A_54, %get3A_55] : memref<1x64xf32, #tpu.memory_space<vmem>>, vector<1x64xf32>
    %get3A_57 = arith.constant 0 : index
    %get3A_58 = arith.constant 0 : index
    %get3A_59 = vector.load %arg20[%get3A_57, %get3A_58] : memref<64x96xf32, #tpu.memory_space<vmem>>, vector<64x96xf32>
    %get3A_60 = arith.constant 0 : index
    %get3A_61 = arith.constant 0 : index
    %get3A_62 = vector.load %arg21[%get3A_60, %get3A_61] : memref<6144x96xf32, #tpu.memory_space<vmem>>, vector<6144x96xf32>
    %get3A_63 = arith.constant 0 : index
    %get3A_64 = arith.constant 0 : index
    %get3A_65 = vector.load %arg22[%get3A_63, %get3A_64] : memref<96x128xf32, #tpu.memory_space<vmem>>, vector<96x128xf32>
    %get3A_66 = arith.constant 0 : index
    %get3A_67 = arith.constant 0 : index
    %get3A_68 = vector.load %arg23[%get3A_66, %get3A_67] : memref<1x64xf32, #tpu.memory_space<vmem>>, vector<1x64xf32>
    %get3A_69 = arith.constant 0 : index
    %get3A_70 = arith.constant 0 : index
    %get3A_71 = vector.load %arg24[%get3A_69, %get3A_70] : memref<1x64xf32, #tpu.memory_space<vmem>>, vector<1x64xf32>
    %get3A_72 = arith.constant 0 : index
    %get3A_73 = arith.constant 0 : index
    %get3A_74 = vector.load %arg25[%get3A_72, %get3A_73] : memref<128x256xf32, #tpu.memory_space<vmem>>, vector<128x256xf32>
    %get3A_75 = arith.constant 0 : index
    %get3A_76 = arith.constant 0 : index
    %get3A_77 = vector.load %arg26[%get3A_75, %get3A_76] : memref<1x64xf32, #tpu.memory_space<vmem>>, vector<1x64xf32>
    %get3A_78 = arith.constant 0 : index
    %get3A_79 = arith.constant 0 : index
    %get3A_80 = vector.load %arg27[%get3A_78, %get3A_79] : memref<1x64xf32, #tpu.memory_space<vmem>>, vector<1x64xf32>
    %get3A_81 = arith.constant 0 : index
    %get3A_82 = arith.constant 0 : index
    %get3A_83 = vector.load %arg28[%get3A_81, %get3A_82] : memref<1x64xf32, #tpu.memory_space<vmem>>, vector<1x64xf32>
    %get3A_84 = arith.constant 0 : index
    %get3A_85 = arith.constant 0 : index
    %get3A_86 = vector.load %arg29[%get3A_84, %get3A_85] : memref<1x64xf32, #tpu.memory_space<vmem>>, vector<1x64xf32>
    %get3A_87 = arith.constant 0 : index
    %get3A_88 = arith.constant 0 : index
    %get3A_89 = vector.load %arg30[%get3A_87, %get3A_88] : memref<1x64xf32, #tpu.memory_space<vmem>>, vector<1x64xf32>
    %get3A_90 = arith.constant 0 : index
    %get3A_91 = arith.constant 0 : index
    %get3A_92 = vector.load %arg31[%get3A_90, %get3A_91] : memref<1x64xf32, #tpu.memory_space<vmem>>, vector<1x64xf32>
    %get3A_93 = arith.constant 0 : index
    %get3A_94 = arith.constant 0 : index
    %get3A_95 = vector.load %arg32[%get3A_93, %get3A_94] : memref<64x64xf32, #tpu.memory_space<vmem>>, vector<64x64xf32>
    %get3A_96 = arith.constant 0 : index
    %get3A_97 = arith.constant 0 : index
    %get3A_98 = vector.load %arg33[%get3A_96, %get3A_97] : memref<1x64xf32, #tpu.memory_space<vmem>>, vector<1x64xf32>
    %get3A_99 = arith.constant 0 : index
    %get3A_100 = arith.constant 0 : index
    %get3A_101 = vector.load %arg34[%get3A_99, %get3A_100] : memref<64x16xf32, #tpu.memory_space<vmem>>, vector<64x16xf32>
    %get3A_102 = arith.constant 0 : index
    %get3A_103 = arith.constant 0 : index
    %get3A_104 = vector.load %arg35[%get3A_102, %get3A_103] : memref<1x16xf32, #tpu.memory_space<vmem>>, vector<1x16xf32>
    %get3A_105 = arith.constant 0 : index
    %get3A_106 = arith.constant 0 : index
    %get3A_107 = vector.load %arg36[%get3A_105, %get3A_106] : memref<64x64xf32, #tpu.memory_space<vmem>>, vector<64x64xf32>
    %get3A_108 = arith.constant 0 : index
    %get3A_109 = arith.constant 0 : index
    %get3A_110 = vector.load %arg37[%get3A_108, %get3A_109] : memref<1x64xf32, #tpu.memory_space<vmem>>, vector<1x64xf32>
    %get3A_111 = arith.constant 0 : index
    %get3A_112 = arith.constant 0 : index
    %get3A_113 = vector.load %arg38[%get3A_111, %get3A_112] : memref<64x16xf32, #tpu.memory_space<vmem>>, vector<64x16xf32>
    %get3A_114 = arith.constant 0 : index
    %get3A_115 = arith.constant 0 : index
    %get3A_116 = vector.load %arg39[%get3A_114, %get3A_115] : memref<1x16xf32, #tpu.memory_space<vmem>>, vector<1x16xf32>
    %reshape3A = vector.shape_cast %get3A_2 : vector<4x1024x64xf32> to vector<4096x64xf32>
    %dot_general3A = arith.constant dense<0.000000e+00> : vector<4096x64xf32>
    %dot_general3A_117 = tpu.matmul %reshape3A, %get3A_8, %dot_general3A {dimension_numbers = #tpu.dot_dimension_numbers<[1], [0], [0], [1], [0, 0, 1, 1], [], []>, precision = #tpu.contract_precision<fp32>, transpose_lhs_hint = false} : vector<4096x64xf32>, vector<64x64xf32>, vector<4096x64xf32> -> vector<4096x64xf32>
    %add3A = vector.broadcast %get3A_11 : vector<1x64xf32> to vector<4096x64xf32>
    %add3A_118 = arith.addf %dot_general3A_117, %add3A : vector<4096x64xf32>
    %max3A = arith.constant 0.000000e+00 : f32
    %max3A_119 = vector.broadcast %max3A : f32 to vector<4096x64xf32>
    %max3A_120 = arith.maximumf %add3A_118, %max3A_119 : vector<4096x64xf32>
    %dot_general3A_121 = arith.constant dense<0.000000e+00> : vector<4096x64xf32>
    %dot_general3A_122 = tpu.matmul %reshape3A, %get3A_14, %dot_general3A_121 {dimension_numbers = #tpu.dot_dimension_numbers<[1], [0], [0], [1], [0, 0, 1, 1], [], []>, precision = #tpu.contract_precision<fp32>, transpose_lhs_hint = false} : vector<4096x64xf32>, vector<64x64xf32>, vector<4096x64xf32> -> vector<4096x64xf32>
    %slice3A = vector.extract_strided_slice %max3A_120 {offsets = [0, 0], sizes = [1024, 64], strides = [1, 1]} : vector<4096x64xf32> to vector<1024x64xf32>
    %slice3A_123 = vector.extract_strided_slice %max3A_120 {offsets = [1024, 0], sizes = [1024, 64], strides = [1, 1]} : vector<4096x64xf32> to vector<1024x64xf32>
    %sub3A = arith.subf %slice3A, %slice3A_123 : vector<1024x64xf32>
    %slice3A_124 = vector.extract_strided_slice %max3A_120 {offsets = [1024, 0], sizes = [1024, 64], strides = [1, 1]} : vector<4096x64xf32> to vector<1024x64xf32>
    %slice3A_125 = vector.extract_strided_slice %max3A_120 {offsets = [2048, 0], sizes = [1024, 64], strides = [1, 1]} : vector<4096x64xf32> to vector<1024x64xf32>
    %sub3A_126 = arith.subf %slice3A_124, %slice3A_125 : vector<1024x64xf32>
    %slice3A_127 = vector.extract_strided_slice %max3A_120 {offsets = [2048, 0], sizes = [1024, 64], strides = [1, 1]} : vector<4096x64xf32> to vector<1024x64xf32>
    %slice3A_128 = vector.extract_strided_slice %max3A_120 {offsets = [3072, 0], sizes = [1024, 64], strides = [1, 1]} : vector<4096x64xf32> to vector<1024x64xf32>
    %sub3A_129 = arith.subf %slice3A_127, %slice3A_128 : vector<1024x64xf32>
    %concatenate3A = tpu.concatenate %sub3A, %sub3A_126, %sub3A_129 in 0 : vector<1024x64xf32>, vector<1024x64xf32>, vector<1024x64xf32> -> vector<3072x64xf32>
    %dot_general3A_130 = arith.constant dense<0.000000e+00> : vector<3072x96xf32>
    %dot_general3A_131 = tpu.matmul %concatenate3A, %get3A_23, %dot_general3A_130 {dimension_numbers = #tpu.dot_dimension_numbers<[1], [0], [0], [1], [0, 0, 1, 1], [], []>, precision = #tpu.contract_precision<fp32>, transpose_lhs_hint = false} : vector<3072x64xf32>, vector<64x96xf32>, vector<3072x96xf32> -> vector<3072x96xf32>
    %slice3A_132 = vector.extract_strided_slice %dot_general3A_131 {offsets = [0, 0], sizes = [1024, 96], strides = [1, 1]} : vector<3072x96xf32> to vector<1024x96xf32>
    %slice3A_133 = vector.extract_strided_slice %dot_general3A_131 {offsets = [1024, 0], sizes = [1024, 96], strides = [1, 1]} : vector<3072x96xf32> to vector<1024x96xf32>
    %slice3A_134 = vector.extract_strided_slice %dot_general3A_131 {offsets = [2048, 0], sizes = [1024, 96], strides = [1, 1]} : vector<3072x96xf32> to vector<1024x96xf32>
    %neg3A = arith.constant 0.000000e+00 : f32
    %neg3A_135 = vector.broadcast %neg3A : f32 to vector<1024x96xf32>
    %neg3A_136 = arith.subf %neg3A_135, %slice3A_132 : vector<1024x96xf32>
    %neg3A_137 = arith.constant 0.000000e+00 : f32
    %neg3A_138 = vector.broadcast %neg3A_137 : f32 to vector<1024x96xf32>
    %neg3A_139 = arith.subf %neg3A_138, %slice3A_133 : vector<1024x96xf32>
    %neg3A_140 = arith.constant 0.000000e+00 : f32
    %neg3A_141 = vector.broadcast %neg3A_140 : f32 to vector<1024x96xf32>
    %neg3A_142 = arith.subf %neg3A_141, %slice3A_134 : vector<1024x96xf32>
    %concatenate3A_143 = tpu.concatenate %slice3A_132, %neg3A_136, %slice3A_133, %neg3A_139, %slice3A_134, %neg3A_142 in 0 : vector<1024x96xf32>, vector<1024x96xf32>, vector<1024x96xf32>, vector<1024x96xf32>, vector<1024x96xf32>, vector<1024x96xf32> -> vector<6144x96xf32>
    %add3A_144 = arith.addf %concatenate3A_143, %get3A_26 : vector<6144x96xf32>
    %max3A_145 = arith.constant 0.000000e+00 : f32
    %max3A_146 = vector.broadcast %max3A_145 : f32 to vector<6144x96xf32>
    %max3A_147 = arith.maximumf %add3A_144, %max3A_146 : vector<6144x96xf32>
    %dot_general3A_148 = arith.constant dense<0.000000e+00> : vector<6144x128xf32>
    %dot_general3A_149 = tpu.matmul %max3A_147, %get3A_29, %dot_general3A_148 {dimension_numbers = #tpu.dot_dimension_numbers<[1], [0], [0], [1], [0, 0, 1, 1], [], []>, precision = #tpu.contract_precision<fp32>, transpose_lhs_hint = false} : vector<6144x96xf32>, vector<96x128xf32>, vector<6144x128xf32> -> vector<6144x128xf32>
    %slice3A_150 = vector.extract_strided_slice %dot_general3A_149 {offsets = [0, 0], sizes = [6144, 64], strides = [1, 1]} : vector<6144x128xf32> to vector<6144x64xf32>
    %add3A_151 = vector.broadcast %get3A_32 : vector<1x64xf32> to vector<6144x64xf32>
    %add3A_152 = arith.addf %slice3A_150, %add3A_151 : vector<6144x64xf32>
    %slice3A_153 = vector.extract_strided_slice %dot_general3A_149 {offsets = [0, 64], sizes = [6144, 64], strides = [1, 1]} : vector<6144x128xf32> to vector<6144x64xf32>
    %add3A_154 = vector.broadcast %get3A_35 : vector<1x64xf32> to vector<6144x64xf32>
    %add3A_155 = arith.addf %slice3A_153, %add3A_154 : vector<6144x64xf32>
    %logistic3A = arith.negf %add3A_155 : vector<6144x64xf32>
    %logistic3A_156 = math.exp %logistic3A : vector<6144x64xf32>
    %logistic3A_157 = arith.constant 1.000000e+00 : f32
    %logistic3A_158 = vector.broadcast %logistic3A_157 : f32 to vector<6144x64xf32>
    %logistic3A_159 = arith.addf %logistic3A_158, %logistic3A_156 : vector<6144x64xf32>
    %logistic3A_160 = arith.divf %logistic3A_158, %logistic3A_159 : vector<6144x64xf32>
    %mul3A = arith.mulf %add3A_152, %logistic3A_160 : vector<6144x64xf32>
    %slice3A_161 = vector.extract_strided_slice %mul3A {offsets = [1024, 0], sizes = [1024, 64], strides = [1, 1]} : vector<6144x64xf32> to vector<1024x64xf32>
    %slice3A_162 = vector.extract_strided_slice %mul3A {offsets = [0, 0], sizes = [1024, 64], strides = [1, 1]} : vector<6144x64xf32> to vector<1024x64xf32>
    %slice3A_163 = vector.extract_strided_slice %mul3A {offsets = [3072, 0], sizes = [1024, 64], strides = [1, 1]} : vector<6144x64xf32> to vector<1024x64xf32>
    %add3A_164 = arith.addf %slice3A_162, %slice3A_163 : vector<1024x64xf32>
    %slice3A_165 = vector.extract_strided_slice %mul3A {offsets = [2048, 0], sizes = [1024, 64], strides = [1, 1]} : vector<6144x64xf32> to vector<1024x64xf32>
    %slice3A_166 = vector.extract_strided_slice %mul3A {offsets = [5120, 0], sizes = [1024, 64], strides = [1, 1]} : vector<6144x64xf32> to vector<1024x64xf32>
    %add3A_167 = arith.addf %slice3A_165, %slice3A_166 : vector<1024x64xf32>
    %slice3A_168 = vector.extract_strided_slice %mul3A {offsets = [4096, 0], sizes = [1024, 64], strides = [1, 1]} : vector<6144x64xf32> to vector<1024x64xf32>
    %concatenate3A_169 = tpu.concatenate %slice3A_161, %add3A_164, %add3A_167, %slice3A_168 in 0 : vector<1024x64xf32>, vector<1024x64xf32>, vector<1024x64xf32>, vector<1024x64xf32> -> vector<4096x64xf32>
    %concatenate3A_170 = tpu.concatenate %concatenate3A_169, %max3A_120 in 1 : vector<4096x64xf32>, vector<4096x64xf32> -> vector<4096x128xf32>
    %dot_general3A_171 = arith.constant dense<0.000000e+00> : vector<4096x256xf32>
    %dot_general3A_172 = tpu.matmul %concatenate3A_170, %get3A_38, %dot_general3A_171 {dimension_numbers = #tpu.dot_dimension_numbers<[1], [0], [0], [1], [0, 0, 1, 1], [], []>, precision = #tpu.contract_precision<fp32>, transpose_lhs_hint = false} : vector<4096x128xf32>, vector<128x256xf32>, vector<4096x256xf32> -> vector<4096x256xf32>
    %slice3A_173 = vector.extract_strided_slice %dot_general3A_172 {offsets = [0, 0], sizes = [4096, 64], strides = [1, 1]} : vector<4096x256xf32> to vector<4096x64xf32>
    %add3A_174 = vector.broadcast %get3A_41 : vector<1x64xf32> to vector<4096x64xf32>
    %add3A_175 = arith.addf %slice3A_173, %add3A_174 : vector<4096x64xf32>
    %add3A_176 = vector.broadcast %get3A_50 : vector<1x64xf32> to vector<4096x64xf32>
    %add3A_177 = arith.addf %add3A_175, %add3A_176 : vector<4096x64xf32>
    %logistic3A_178 = arith.negf %add3A_177 : vector<4096x64xf32>
    %logistic3A_179 = math.exp %logistic3A_178 : vector<4096x64xf32>
    %logistic3A_180 = arith.constant 1.000000e+00 : f32
    %logistic3A_181 = vector.broadcast %logistic3A_180 : f32 to vector<4096x64xf32>
    %logistic3A_182 = arith.addf %logistic3A_181, %logistic3A_179 : vector<4096x64xf32>
    %logistic3A_183 = arith.divf %logistic3A_181, %logistic3A_182 : vector<4096x64xf32>
    %slice3A_184 = vector.extract_strided_slice %dot_general3A_172 {offsets = [0, 64], sizes = [4096, 64], strides = [1, 1]} : vector<4096x256xf32> to vector<4096x64xf32>
    %add3A_185 = vector.broadcast %get3A_44 : vector<1x64xf32> to vector<4096x64xf32>
    %add3A_186 = arith.addf %slice3A_184, %add3A_185 : vector<4096x64xf32>
    %add3A_187 = vector.broadcast %get3A_53 : vector<1x64xf32> to vector<4096x64xf32>
    %add3A_188 = arith.addf %add3A_186, %add3A_187 : vector<4096x64xf32>
    %logistic3A_189 = arith.negf %add3A_188 : vector<4096x64xf32>
    %logistic3A_190 = math.exp %logistic3A_189 : vector<4096x64xf32>
    %logistic3A_191 = arith.constant 1.000000e+00 : f32
    %logistic3A_192 = vector.broadcast %logistic3A_191 : f32 to vector<4096x64xf32>
    %logistic3A_193 = arith.addf %logistic3A_192, %logistic3A_190 : vector<4096x64xf32>
    %logistic3A_194 = arith.divf %logistic3A_192, %logistic3A_193 : vector<4096x64xf32>
    %slice3A_195 = vector.extract_strided_slice %dot_general3A_172 {offsets = [0, 128], sizes = [4096, 64], strides = [1, 1]} : vector<4096x256xf32> to vector<4096x64xf32>
    %add3A_196 = vector.broadcast %get3A_47 : vector<1x64xf32> to vector<4096x64xf32>
    %add3A_197 = arith.addf %slice3A_195, %add3A_196 : vector<4096x64xf32>
    %slice3A_198 = vector.extract_strided_slice %dot_general3A_172 {offsets = [0, 192], sizes = [4096, 64], strides = [1, 1]} : vector<4096x256xf32> to vector<4096x64xf32>
    %add3A_199 = vector.broadcast %get3A_56 : vector<1x64xf32> to vector<4096x64xf32>
    %add3A_200 = arith.addf %slice3A_198, %add3A_199 : vector<4096x64xf32>
    %mul3A_201 = arith.mulf %logistic3A_183, %add3A_200 : vector<4096x64xf32>
    %add3A_202 = arith.addf %add3A_197, %mul3A_201 : vector<4096x64xf32>
    %tanh3A = math.tanh %add3A_202 : vector<4096x64xf32>
    %sub3A_203 = arith.constant 1.000000e+00 : f32
    %sub3A_204 = vector.broadcast %sub3A_203 : f32 to vector<4096x64xf32>
    %sub3A_205 = arith.subf %sub3A_204, %logistic3A_194 : vector<4096x64xf32>
    %mul3A_206 = arith.mulf %sub3A_205, %tanh3A : vector<4096x64xf32>
    %mul3A_207 = arith.mulf %logistic3A_194, %max3A_120 : vector<4096x64xf32>
    %add3A_208 = arith.addf %mul3A_206, %mul3A_207 : vector<4096x64xf32>
    %slice3A_209 = vector.extract_strided_slice %add3A_208 {offsets = [0, 0], sizes = [1024, 64], strides = [1, 1]} : vector<4096x64xf32> to vector<1024x64xf32>
    %slice3A_210 = vector.extract_strided_slice %add3A_208 {offsets = [2048, 0], sizes = [1024, 64], strides = [1, 1]} : vector<4096x64xf32> to vector<1024x64xf32>
    %sub3A_211 = arith.subf %slice3A_209, %slice3A_210 : vector<1024x64xf32>
    %dot_general3A_212 = arith.constant dense<0.000000e+00> : vector<1024x64xf32>
    %dot_general3A_213 = tpu.matmul %sub3A_211, %get3A_95, %dot_general3A_212 {dimension_numbers = #tpu.dot_dimension_numbers<[1], [0], [0], [1], [0, 0, 1, 1], [], []>, precision = #tpu.contract_precision<fp32>, transpose_lhs_hint = false} : vector<1024x64xf32>, vector<64x64xf32>, vector<1024x64xf32> -> vector<1024x64xf32>
    %add3A_214 = vector.broadcast %get3A_98 : vector<1x64xf32> to vector<1024x64xf32>
    %add3A_215 = arith.addf %dot_general3A_213, %add3A_214 : vector<1024x64xf32>
    %max3A_216 = arith.constant 0.000000e+00 : f32
    %max3A_217 = vector.broadcast %max3A_216 : f32 to vector<1024x64xf32>
    %max3A_218 = arith.maximumf %add3A_215, %max3A_217 : vector<1024x64xf32>
    %dot_general3A_219 = arith.constant dense<0.000000e+00> : vector<1024x16xf32>
    %dot_general3A_220 = tpu.matmul %max3A_218, %get3A_101, %dot_general3A_219 {dimension_numbers = #tpu.dot_dimension_numbers<[1], [0], [0], [1], [0, 0, 1, 1], [], []>, precision = #tpu.contract_precision<fp32>, transpose_lhs_hint = false} : vector<1024x64xf32>, vector<64x16xf32>, vector<1024x16xf32> -> vector<1024x16xf32>
    %add3A_221 = vector.broadcast %get3A_104 : vector<1x16xf32> to vector<1024x16xf32>
    %add3A_222 = arith.addf %dot_general3A_220, %add3A_221 : vector<1024x16xf32>
    %swap3A = arith.constant 0 : index
    %swap3A_223 = arith.constant 0 : index
    %swap3A_224 = vector.load %arg40[%swap3A, %swap3A_223] : memref<1024x16xf32, #tpu.memory_space<vmem>>, vector<1024x16xf32>
    tpu.vector_store %arg40[%swap3A, %swap3A_223], %add3A_222 {strides = array<i32>} : memref<1024x16xf32, #tpu.memory_space<vmem>>, vector<1024x16xf32>,
    %reduce_max3A = arith.constant dense<0xFF800000> : vector<1024xf32>
    %reduce_max3A_225 = vector.multi_reduction <maximumf>, %add3A_222, %reduce_max3A [1] : vector<1024x16xf32> to vector<1024xf32>
    %broadcast_in_dim3A = vector.shape_cast %reduce_max3A_225 : vector<1024xf32> to vector<1024x1xf32>
    %iota3A = tpu.iota {dimensions = array<i32: 1>} : vector<1024x16xi32>
    %ge3A = vector.broadcast %broadcast_in_dim3A : vector<1024x1xf32> to vector<1024x16xf32>
    %ge3A_226 = arith.cmpf oge, %add3A_222, %ge3A : vector<1024x16xf32>
    %jit3A = arith.constant 16 : i32
    %broadcast_in_dim3A_227 = vector.broadcast %jit3A : i32 to vector<1024x16xi32>
    %select_n3A = arith.select %ge3A_226, %iota3A, %broadcast_in_dim3A_227 : vector<1024x16xi1>, vector<1024x16xi32>
    %reduce_min3A = arith.constant dense<2147483647> : vector<1024xi32>
    %reduce_min3A_228 = vector.multi_reduction <minsi>, %select_n3A, %reduce_min3A [1] : vector<1024x16xi32> to vector<1024xi32>
    %broadcast_in_dim3A_229 = vector.shape_cast %reduce_min3A_228 : vector<1024xi32> to vector<1024x1xi32>
    %eq3A = vector.broadcast %broadcast_in_dim3A_229 : vector<1024x1xi32> to vector<1024x16xi32>
    %eq3A_230 = arith.cmpi eq, %iota3A, %eq3A : vector<1024x16xi32>
    %convert_element_type3A = arith.extui %eq3A_230 : vector<1024x16xi1> to vector<1024x16xi32>
    %convert_element_type3A_231 = arith.sitofp %convert_element_type3A : vector<1024x16xi32> to vector<1024x16xf32>
    %dot_general3A_232 = arith.constant dense<0.000000e+00> : vector<1024x64xf32>
    %dot_general3A_233 = tpu.matmul %convert_element_type3A_231, %get3A_5, %dot_general3A_232 {dimension_numbers = #tpu.dot_dimension_numbers<[1], [0], [0], [1], [0, 0, 1, 1], [], []>, precision = #tpu.contract_precision<fp32>, transpose_lhs_hint = false} : vector<1024x16xf32>, vector<16x64xf32>, vector<1024x64xf32> -> vector<1024x64xf32>
    %dot_general3A_234 = arith.constant dense<0.000000e+00> : vector<1024x64xf32>
    %dot_general3A_235 = tpu.matmul %dot_general3A_233, %get3A_17, %dot_general3A_234 {dimension_numbers = #tpu.dot_dimension_numbers<[1], [0], [0], [1], [0, 0, 1, 1], [], []>, precision = #tpu.contract_precision<fp32>, transpose_lhs_hint = false} : vector<1024x64xf32>, vector<64x64xf32>, vector<1024x64xf32> -> vector<1024x64xf32>
    %concatenate3A_236 = tpu.concatenate %dot_general3A_235, %dot_general3A_235, %dot_general3A_235, %dot_general3A_235 in 0 : vector<1024x64xf32>, vector<1024x64xf32>, vector<1024x64xf32>, vector<1024x64xf32> -> vector<4096x64xf32>
    %add3A_237 = arith.addf %dot_general3A_122, %concatenate3A_236 : vector<4096x64xf32>
    %add3A_238 = vector.broadcast %get3A_20 : vector<1x64xf32> to vector<4096x64xf32>
    %add3A_239 = arith.addf %add3A_237, %add3A_238 : vector<4096x64xf32>
    %max3A_240 = arith.constant 0.000000e+00 : f32
    %max3A_241 = vector.broadcast %max3A_240 : f32 to vector<4096x64xf32>
    %max3A_242 = arith.maximumf %add3A_239, %max3A_241 : vector<4096x64xf32>
    %slice3A_243 = vector.extract_strided_slice %max3A_242 {offsets = [0, 0], sizes = [1024, 64], strides = [1, 1]} : vector<4096x64xf32> to vector<1024x64xf32>
    %slice3A_244 = vector.extract_strided_slice %max3A_242 {offsets = [1024, 0], sizes = [1024, 64], strides = [1, 1]} : vector<4096x64xf32> to vector<1024x64xf32>
    %sub3A_245 = arith.subf %slice3A_243, %slice3A_244 : vector<1024x64xf32>
    %slice3A_246 = vector.extract_strided_slice %max3A_242 {offsets = [1024, 0], sizes = [1024, 64], strides = [1, 1]} : vector<4096x64xf32> to vector<1024x64xf32>
    %slice3A_247 = vector.extract_strided_slice %max3A_242 {offsets = [2048, 0], sizes = [1024, 64], strides = [1, 1]} : vector<4096x64xf32> to vector<1024x64xf32>
    %sub3A_248 = arith.subf %slice3A_246, %slice3A_247 : vector<1024x64xf32>
    %slice3A_249 = vector.extract_strided_slice %max3A_242 {offsets = [2048, 0], sizes = [1024, 64], strides = [1, 1]} : vector<4096x64xf32> to vector<1024x64xf32>
    %slice3A_250 = vector.extract_strided_slice %max3A_242 {offsets = [3072, 0], sizes = [1024, 64], strides = [1, 1]} : vector<4096x64xf32> to vector<1024x64xf32>
    %sub3A_251 = arith.subf %slice3A_249, %slice3A_250 : vector<1024x64xf32>
    %concatenate3A_252 = tpu.concatenate %sub3A_245, %sub3A_248, %sub3A_251 in 0 : vector<1024x64xf32>, vector<1024x64xf32>, vector<1024x64xf32> -> vector<3072x64xf32>
    %dot_general3A_253 = arith.constant dense<0.000000e+00> : vector<3072x96xf32>
    %dot_general3A_254 = tpu.matmul %concatenate3A_252, %get3A_59, %dot_general3A_253 {dimension_numbers = #tpu.dot_dimension_numbers<[1], [0], [0], [1], [0, 0, 1, 1], [], []>, precision = #tpu.contract_precision<fp32>, transpose_lhs_hint = false} : vector<3072x64xf32>, vector<64x96xf32>, vector<3072x96xf32> -> vector<3072x96xf32>
    %slice3A_255 = vector.extract_strided_slice %dot_general3A_254 {offsets = [0, 0], sizes = [1024, 96], strides = [1, 1]} : vector<3072x96xf32> to vector<1024x96xf32>
    %slice3A_256 = vector.extract_strided_slice %dot_general3A_254 {offsets = [1024, 0], sizes = [1024, 96], strides = [1, 1]} : vector<3072x96xf32> to vector<1024x96xf32>
    %slice3A_257 = vector.extract_strided_slice %dot_general3A_254 {offsets = [2048, 0], sizes = [1024, 96], strides = [1, 1]} : vector<3072x96xf32> to vector<1024x96xf32>
    %neg3A_258 = arith.constant 0.000000e+00 : f32
    %neg3A_259 = vector.broadcast %neg3A_258 : f32 to vector<1024x96xf32>
    %neg3A_260 = arith.subf %neg3A_259, %slice3A_255 : vector<1024x96xf32>
    %neg3A_261 = arith.constant 0.000000e+00 : f32
    %neg3A_262 = vector.broadcast %neg3A_261 : f32 to vector<1024x96xf32>
    %neg3A_263 = arith.subf %neg3A_262, %slice3A_256 : vector<1024x96xf32>
    %neg3A_264 = arith.constant 0.000000e+00 : f32
    %neg3A_265 = vector.broadcast %neg3A_264 : f32 to vector<1024x96xf32>
    %neg3A_266 = arith.subf %neg3A_265, %slice3A_257 : vector<1024x96xf32>
    %concatenate3A_267 = tpu.concatenate %slice3A_255, %neg3A_260, %slice3A_256, %neg3A_263, %slice3A_257, %neg3A_266 in 0 : vector<1024x96xf32>, vector<1024x96xf32>, vector<1024x96xf32>, vector<1024x96xf32>, vector<1024x96xf32>, vector<1024x96xf32> -> vector<6144x96xf32>
    %add3A_268 = arith.addf %concatenate3A_267, %get3A_62 : vector<6144x96xf32>
    %max3A_269 = arith.constant 0.000000e+00 : f32
    %max3A_270 = vector.broadcast %max3A_269 : f32 to vector<6144x96xf32>
    %max3A_271 = arith.maximumf %add3A_268, %max3A_270 : vector<6144x96xf32>
    %dot_general3A_272 = arith.constant dense<0.000000e+00> : vector<6144x128xf32>
    %dot_general3A_273 = tpu.matmul %max3A_271, %get3A_65, %dot_general3A_272 {dimension_numbers = #tpu.dot_dimension_numbers<[1], [0], [0], [1], [0, 0, 1, 1], [], []>, precision = #tpu.contract_precision<fp32>, transpose_lhs_hint = false} : vector<6144x96xf32>, vector<96x128xf32>, vector<6144x128xf32> -> vector<6144x128xf32>
    %slice3A_274 = vector.extract_strided_slice %dot_general3A_273 {offsets = [0, 0], sizes = [6144, 64], strides = [1, 1]} : vector<6144x128xf32> to vector<6144x64xf32>
    %add3A_275 = vector.broadcast %get3A_68 : vector<1x64xf32> to vector<6144x64xf32>
    %add3A_276 = arith.addf %slice3A_274, %add3A_275 : vector<6144x64xf32>
    %slice3A_277 = vector.extract_strided_slice %dot_general3A_273 {offsets = [0, 64], sizes = [6144, 64], strides = [1, 1]} : vector<6144x128xf32> to vector<6144x64xf32>
    %add3A_278 = vector.broadcast %get3A_71 : vector<1x64xf32> to vector<6144x64xf32>
    %add3A_279 = arith.addf %slice3A_277, %add3A_278 : vector<6144x64xf32>
    %logistic3A_280 = arith.negf %add3A_279 : vector<6144x64xf32>
    %logistic3A_281 = math.exp %logistic3A_280 : vector<6144x64xf32>
    %logistic3A_282 = arith.constant 1.000000e+00 : f32
    %logistic3A_283 = vector.broadcast %logistic3A_282 : f32 to vector<6144x64xf32>
    %logistic3A_284 = arith.addf %logistic3A_283, %logistic3A_281 : vector<6144x64xf32>
    %logistic3A_285 = arith.divf %logistic3A_283, %logistic3A_284 : vector<6144x64xf32>
    %mul3A_286 = arith.mulf %add3A_276, %logistic3A_285 : vector<6144x64xf32>
    %slice3A_287 = vector.extract_strided_slice %mul3A_286 {offsets = [1024, 0], sizes = [1024, 64], strides = [1, 1]} : vector<6144x64xf32> to vector<1024x64xf32>
    %slice3A_288 = vector.extract_strided_slice %mul3A_286 {offsets = [0, 0], sizes = [1024, 64], strides = [1, 1]} : vector<6144x64xf32> to vector<1024x64xf32>
    %slice3A_289 = vector.extract_strided_slice %mul3A_286 {offsets = [3072, 0], sizes = [1024, 64], strides = [1, 1]} : vector<6144x64xf32> to vector<1024x64xf32>
    %add3A_290 = arith.addf %slice3A_288, %slice3A_289 : vector<1024x64xf32>
    %slice3A_291 = vector.extract_strided_slice %mul3A_286 {offsets = [2048, 0], sizes = [1024, 64], strides = [1, 1]} : vector<6144x64xf32> to vector<1024x64xf32>
    %slice3A_292 = vector.extract_strided_slice %mul3A_286 {offsets = [5120, 0], sizes = [1024, 64], strides = [1, 1]} : vector<6144x64xf32> to vector<1024x64xf32>
    %add3A_293 = arith.addf %slice3A_291, %slice3A_292 : vector<1024x64xf32>
    %slice3A_294 = vector.extract_strided_slice %mul3A_286 {offsets = [4096, 0], sizes = [1024, 64], strides = [1, 1]} : vector<6144x64xf32> to vector<1024x64xf32>
    %concatenate3A_295 = tpu.concatenate %slice3A_287, %add3A_290, %add3A_293, %slice3A_294 in 0 : vector<1024x64xf32>, vector<1024x64xf32>, vector<1024x64xf32>, vector<1024x64xf32> -> vector<4096x64xf32>
    %concatenate3A_296 = tpu.concatenate %concatenate3A_295, %max3A_242 in 1 : vector<4096x64xf32>, vector<4096x64xf32> -> vector<4096x128xf32>
    %dot_general3A_297 = arith.constant dense<0.000000e+00> : vector<4096x256xf32>
    %dot_general3A_298 = tpu.matmul %concatenate3A_296, %get3A_74, %dot_general3A_297 {dimension_numbers = #tpu.dot_dimension_numbers<[1], [0], [0], [1], [0, 0, 1, 1], [], []>, precision = #tpu.contract_precision<fp32>, transpose_lhs_hint = false} : vector<4096x128xf32>, vector<128x256xf32>, vector<4096x256xf32> -> vector<4096x256xf32>
    %slice3A_299 = vector.extract_strided_slice %dot_general3A_298 {offsets = [0, 0], sizes = [4096, 64], strides = [1, 1]} : vector<4096x256xf32> to vector<4096x64xf32>
    %add3A_300 = vector.broadcast %get3A_77 : vector<1x64xf32> to vector<4096x64xf32>
    %add3A_301 = arith.addf %slice3A_299, %add3A_300 : vector<4096x64xf32>
    %add3A_302 = vector.broadcast %get3A_86 : vector<1x64xf32> to vector<4096x64xf32>
    %add3A_303 = arith.addf %add3A_301, %add3A_302 : vector<4096x64xf32>
    %logistic3A_304 = arith.negf %add3A_303 : vector<4096x64xf32>
    %logistic3A_305 = math.exp %logistic3A_304 : vector<4096x64xf32>
    %logistic3A_306 = arith.constant 1.000000e+00 : f32
    %logistic3A_307 = vector.broadcast %logistic3A_306 : f32 to vector<4096x64xf32>
    %logistic3A_308 = arith.addf %logistic3A_307, %logistic3A_305 : vector<4096x64xf32>
    %logistic3A_309 = arith.divf %logistic3A_307, %logistic3A_308 : vector<4096x64xf32>
    %slice3A_310 = vector.extract_strided_slice %dot_general3A_298 {offsets = [0, 64], sizes = [4096, 64], strides = [1, 1]} : vector<4096x256xf32> to vector<4096x64xf32>
    %add3A_311 = vector.broadcast %get3A_80 : vector<1x64xf32> to vector<4096x64xf32>
    %add3A_312 = arith.addf %slice3A_310, %add3A_311 : vector<4096x64xf32>
    %add3A_313 = vector.broadcast %get3A_89 : vector<1x64xf32> to vector<4096x64xf32>
    %add3A_314 = arith.addf %add3A_312, %add3A_313 : vector<4096x64xf32>
    %logistic3A_315 = arith.negf %add3A_314 : vector<4096x64xf32>
    %logistic3A_316 = math.exp %logistic3A_315 : vector<4096x64xf32>
    %logistic3A_317 = arith.constant 1.000000e+00 : f32
    %logistic3A_318 = vector.broadcast %logistic3A_317 : f32 to vector<4096x64xf32>
    %logistic3A_319 = arith.addf %logistic3A_318, %logistic3A_316 : vector<4096x64xf32>
    %logistic3A_320 = arith.divf %logistic3A_318, %logistic3A_319 : vector<4096x64xf32>
    %slice3A_321 = vector.extract_strided_slice %dot_general3A_298 {offsets = [0, 128], sizes = [4096, 64], strides = [1, 1]} : vector<4096x256xf32> to vector<4096x64xf32>
    %add3A_322 = vector.broadcast %get3A_83 : vector<1x64xf32> to vector<4096x64xf32>
    %add3A_323 = arith.addf %slice3A_321, %add3A_322 : vector<4096x64xf32>
    %slice3A_324 = vector.extract_strided_slice %dot_general3A_298 {offsets = [0, 192], sizes = [4096, 64], strides = [1, 1]} : vector<4096x256xf32> to vector<4096x64xf32>
    %add3A_325 = vector.broadcast %get3A_92 : vector<1x64xf32> to vector<4096x64xf32>
    %add3A_326 = arith.addf %slice3A_324, %add3A_325 : vector<4096x64xf32>
    %mul3A_327 = arith.mulf %logistic3A_309, %add3A_326 : vector<4096x64xf32>
    %add3A_328 = arith.addf %add3A_323, %mul3A_327 : vector<4096x64xf32>
    %tanh3A_329 = math.tanh %add3A_328 : vector<4096x64xf32>
    %sub3A_330 = arith.constant 1.000000e+00 : f32
    %sub3A_331 = vector.broadcast %sub3A_330 : f32 to vector<4096x64xf32>
    %sub3A_332 = arith.subf %sub3A_331, %logistic3A_320 : vector<4096x64xf32>
    %mul3A_333 = arith.mulf %sub3A_332, %tanh3A_329 : vector<4096x64xf32>
    %mul3A_334 = arith.mulf %logistic3A_320, %max3A_242 : vector<4096x64xf32>
    %add3A_335 = arith.addf %mul3A_333, %mul3A_334 : vector<4096x64xf32>
    %slice3A_336 = vector.extract_strided_slice %add3A_335 {offsets = [2048, 0], sizes = [1024, 64], strides = [1, 1]} : vector<4096x64xf32> to vector<1024x64xf32>
    %slice3A_337 = vector.extract_strided_slice %add3A_335 {offsets = [3072, 0], sizes = [1024, 64], strides = [1, 1]} : vector<4096x64xf32> to vector<1024x64xf32>
    %sub3A_338 = arith.subf %slice3A_336, %slice3A_337 : vector<1024x64xf32>
    %dot_general3A_339 = arith.constant dense<0.000000e+00> : vector<1024x64xf32>
    %dot_general3A_340 = tpu.matmul %sub3A_338, %get3A_107, %dot_general3A_339 {dimension_numbers = #tpu.dot_dimension_numbers<[1], [0], [0], [1], [0, 0, 1, 1], [], []>, precision = #tpu.contract_precision<fp32>, transpose_lhs_hint = false} : vector<1024x64xf32>, vector<64x64xf32>, vector<1024x64xf32> -> vector<1024x64xf32>
    %add3A_341 = vector.broadcast %get3A_110 : vector<1x64xf32> to vector<1024x64xf32>
    %add3A_342 = arith.addf %dot_general3A_340, %add3A_341 : vector<1024x64xf32>
    %max3A_343 = arith.constant 0.000000e+00 : f32
    %max3A_344 = vector.broadcast %max3A_343 : f32 to vector<1024x64xf32>
    %max3A_345 = arith.maximumf %add3A_342, %max3A_344 : vector<1024x64xf32>
    %dot_general3A_346 = arith.constant dense<0.000000e+00> : vector<1024x16xf32>
    %dot_general3A_347 = tpu.matmul %max3A_345, %get3A_113, %dot_general3A_346 {dimension_numbers = #tpu.dot_dimension_numbers<[1], [0], [0], [1], [0, 0, 1, 1], [], []>, precision = #tpu.contract_precision<fp32>, transpose_lhs_hint = false} : vector<1024x64xf32>, vector<64x16xf32>, vector<1024x16xf32> -> vector<1024x16xf32>
    %add3A_348 = vector.broadcast %get3A_116 : vector<1x16xf32> to vector<1024x16xf32>
    %add3A_349 = arith.addf %dot_general3A_347, %add3A_348 : vector<1024x16xf32>
    %swap3A_350 = arith.constant 0 : index
    %swap3A_351 = arith.constant 0 : index
    %swap3A_352 = vector.load %arg41[%swap3A_350, %swap3A_351] : memref<1024x16xf32, #tpu.memory_space<vmem>>, vector<1024x16xf32>
    tpu.vector_store %arg41[%swap3A_350, %swap3A_351], %add3A_349 {strides = array<i32>} : memref<1024x16xf32, #tpu.memory_space<vmem>>, vector<1024x16xf32>,
    return
  }
  func.func @transform_0(%arg0: i32) -> (i32, i32, i32) {
    %c0_i32 = arith.constant 0 : i32
    %c0_i32_0 = arith.constant 0 : i32
    %c0_i32_1 = arith.constant 0 : i32
    return %c0_i32, %arg0, %c0_i32_0 : i32, i32, i32
  }
  func.func @transform_1(%arg0: i32) -> (i32, i32) {
    %c0_i32 = arith.constant 0 : i32
    %c0_i32_0 = arith.constant 0 : i32
    %c0_i32_1 = arith.constant 0 : i32
    return %c0_i32, %c0_i32_0 : i32, i32
  }
  func.func @transform_2(%arg0: i32) -> (i32, i32) {
    %c0_i32 = arith.constant 0 : i32
    %c0_i32_0 = arith.constant 0 : i32
    %c0_i32_1 = arith.constant 0 : i32
    return %c0_i32, %c0_i32_0 : i32, i32
  }
  func.func @transform_3(%arg0: i32) -> (i32, i32) {
    %c0_i32 = arith.constant 0 : i32
    %c0_i32_0 = arith.constant 0 : i32
    %c0_i32_1 = arith.constant 0 : i32
    return %c0_i32, %c0_i32_0 : i32, i32
  }
  func.func @transform_4(%arg0: i32) -> (i32, i32) {
    %c0_i32 = arith.constant 0 : i32
    %c0_i32_0 = arith.constant 0 : i32
    %c0_i32_1 = arith.constant 0 : i32
    return %c0_i32, %c0_i32_0 : i32, i32
  }
  func.func @transform_5(%arg0: i32) -> (i32, i32) {
    %c0_i32 = arith.constant 0 : i32
    %c0_i32_0 = arith.constant 0 : i32
    %c0_i32_1 = arith.constant 0 : i32
    return %c0_i32, %c0_i32_0 : i32, i32
  }
  func.func @transform_6(%arg0: i32) -> (i32, i32) {
    %c0_i32 = arith.constant 0 : i32
    %c0_i32_0 = arith.constant 0 : i32
    %c0_i32_1 = arith.constant 0 : i32
    return %c0_i32, %c0_i32_0 : i32, i32
  }
  func.func @transform_7(%arg0: i32) -> (i32, i32) {
    %c0_i32 = arith.constant 0 : i32
    %c0_i32_0 = arith.constant 0 : i32
    %c0_i32_1 = arith.constant 0 : i32
    return %c0_i32, %c0_i32_0 : i32, i32
  }
  func.func @transform_8(%arg0: i32) -> (i32, i32) {
    %c0_i32 = arith.constant 0 : i32
    %c0_i32_0 = arith.constant 0 : i32
    %c0_i32_1 = arith.constant 0 : i32
    return %c0_i32, %c0_i32_0 : i32, i32
  }
  func.func @transform_9(%arg0: i32) -> (i32, i32) {
    %c0_i32 = arith.constant 0 : i32
    %c0_i32_0 = arith.constant 0 : i32
    %c0_i32_1 = arith.constant 0 : i32
    return %c0_i32, %c0_i32_0 : i32, i32
  }
  func.func @transform_10(%arg0: i32) -> (i32, i32) {
    %c0_i32 = arith.constant 0 : i32
    %c0_i32_0 = arith.constant 0 : i32
    %c0_i32_1 = arith.constant 0 : i32
    return %c0_i32, %c0_i32_0 : i32, i32
  }
  func.func @transform_11(%arg0: i32) -> (i32, i32) {
    %c0_i32 = arith.constant 0 : i32
    %c0_i32_0 = arith.constant 0 : i32
    %c0_i32_1 = arith.constant 0 : i32
    return %c0_i32, %c0_i32_0 : i32, i32
  }
  func.func @transform_12(%arg0: i32) -> (i32, i32) {
    %c0_i32 = arith.constant 0 : i32
    %c0_i32_0 = arith.constant 0 : i32
    %c0_i32_1 = arith.constant 0 : i32
    return %c0_i32, %c0_i32_0 : i32, i32
  }
  func.func @transform_13(%arg0: i32) -> (i32, i32) {
    %c0_i32 = arith.constant 0 : i32
    %c0_i32_0 = arith.constant 0 : i32
    %c0_i32_1 = arith.constant 0 : i32
    return %c0_i32, %c0_i32_0 : i32, i32
  }
  func.func @transform_14(%arg0: i32) -> (i32, i32) {
    %c0_i32 = arith.constant 0 : i32
    %c0_i32_0 = arith.constant 0 : i32
    %c0_i32_1 = arith.constant 0 : i32
    return %c0_i32, %c0_i32_0 : i32, i32
  }
  func.func @transform_15(%arg0: i32) -> (i32, i32) {
    %c0_i32 = arith.constant 0 : i32
    %c0_i32_0 = arith.constant 0 : i32
    %c0_i32_1 = arith.constant 0 : i32
    return %c0_i32, %c0_i32_0 : i32, i32
  }
  func.func @transform_16(%arg0: i32) -> (i32, i32) {
    %c0_i32 = arith.constant 0 : i32
    %c0_i32_0 = arith.constant 0 : i32
    %c0_i32_1 = arith.constant 0 : i32
    return %c0_i32, %c0_i32_0 : i32, i32
  }
  func.func @transform_17(%arg0: i32) -> (i32, i32) {
    %c0_i32 = arith.constant 0 : i32
    %c0_i32_0 = arith.constant 0 : i32
    %c0_i32_1 = arith.constant 0 : i32
    return %c0_i32, %c0_i32_0 : i32, i32
  }
  func.func @transform_18(%arg0: i32) -> (i32, i32) {
    %c0_i32 = arith.constant 0 : i32
    %c0_i32_0 = arith.constant 0 : i32
    %c0_i32_1 = arith.constant 0 : i32
    return %c0_i32, %c0_i32_0 : i32, i32
  }
  func.func @transform_19(%arg0: i32) -> (i32, i32) {
    %c0_i32 = arith.constant 0 : i32
    %c0_i32_0 = arith.constant 0 : i32
    %c0_i32_1 = arith.constant 0 : i32
    return %c0_i32, %c0_i32_0 : i32, i32
  }
  func.func @transform_20(%arg0: i32) -> (i32, i32) {
    %c0_i32 = arith.constant 0 : i32
    %c0_i32_0 = arith.constant 0 : i32
    %c0_i32_1 = arith.constant 0 : i32
    return %c0_i32, %c0_i32_0 : i32, i32
  }
  func.func @transform_21(%arg0: i32) -> (i32, i32) {
    %c0_i32 = arith.constant 0 : i32
    %c0_i32_0 = arith.constant 0 : i32
    %c0_i32_1 = arith.constant 0 : i32
    return %c0_i32, %c0_i32_0 : i32, i32
  }
  func.func @transform_22(%arg0: i32) -> (i32, i32) {
    %c0_i32 = arith.constant 0 : i32
    %c0_i32_0 = arith.constant 0 : i32
    %c0_i32_1 = arith.constant 0 : i32
    return %c0_i32, %c0_i32_0 : i32, i32
  }
  func.func @transform_23(%arg0: i32) -> (i32, i32) {
    %c0_i32 = arith.constant 0 : i32
    %c0_i32_0 = arith.constant 0 : i32
    %c0_i32_1 = arith.constant 0 : i32
    return %c0_i32, %c0_i32_0 : i32, i32
  }
  func.func @transform_24(%arg0: i32) -> (i32, i32) {
    %c0_i32 = arith.constant 0 : i32
    %c0_i32_0 = arith.constant 0 : i32
    %c0_i32_1 = arith.constant 0 : i32
    return %c0_i32, %c0_i32_0 : i32, i32
  }
  func.func @transform_25(%arg0: i32) -> (i32, i32) {
    %c0_i32 = arith.constant 0 : i32
    %c0_i32_0 = arith.constant 0 : i32
    %c0_i32_1 = arith.constant 0 : i32
    return %c0_i32, %c0_i32_0 : i32, i32
  }
  func.func @transform_26(%arg0: i32) -> (i32, i32) {
    %c0_i32 = arith.constant 0 : i32
    %c0_i32_0 = arith.constant 0 : i32
    %c0_i32_1 = arith.constant 0 : i32
    return %c0_i32, %c0_i32_0 : i32, i32
  }
  func.func @transform_27(%arg0: i32) -> (i32, i32) {
    %c0_i32 = arith.constant 0 : i32
    %c0_i32_0 = arith.constant 0 : i32
    %c0_i32_1 = arith.constant 0 : i32
    return %c0_i32, %c0_i32_0 : i32, i32
  }
  func.func @transform_28(%arg0: i32) -> (i32, i32) {
    %c0_i32 = arith.constant 0 : i32
    %c0_i32_0 = arith.constant 0 : i32
    %c0_i32_1 = arith.constant 0 : i32
    return %c0_i32, %c0_i32_0 : i32, i32
  }
  func.func @transform_29(%arg0: i32) -> (i32, i32) {
    %c0_i32 = arith.constant 0 : i32
    %c0_i32_0 = arith.constant 0 : i32
    %c0_i32_1 = arith.constant 0 : i32
    return %c0_i32, %c0_i32_0 : i32, i32
  }
  func.func @transform_30(%arg0: i32) -> (i32, i32) {
    %c0_i32 = arith.constant 0 : i32
    %c0_i32_0 = arith.constant 0 : i32
    %c0_i32_1 = arith.constant 0 : i32
    return %c0_i32, %c0_i32_0 : i32, i32
  }
  func.func @transform_31(%arg0: i32) -> (i32, i32) {
    %c0_i32 = arith.constant 0 : i32
    %c0_i32_0 = arith.constant 0 : i32
    %c0_i32_1 = arith.constant 0 : i32
    return %c0_i32, %c0_i32_0 : i32, i32
  }
  func.func @transform_32(%arg0: i32) -> (i32, i32) {
    %c0_i32 = arith.constant 0 : i32
    %c0_i32_0 = arith.constant 0 : i32
    %c0_i32_1 = arith.constant 0 : i32
    return %c0_i32, %c0_i32_0 : i32, i32
  }
  func.func @transform_33(%arg0: i32) -> (i32, i32) {
    %c0_i32 = arith.constant 0 : i32
    %c0_i32_0 = arith.constant 0 : i32
    %c0_i32_1 = arith.constant 0 : i32
    return %c0_i32, %c0_i32_0 : i32, i32
  }
  func.func @transform_34(%arg0: i32) -> (i32, i32) {
    %c0_i32 = arith.constant 0 : i32
    %c0_i32_0 = arith.constant 0 : i32
    %c0_i32_1 = arith.constant 0 : i32
    return %c0_i32, %c0_i32_0 : i32, i32
  }
  func.func @transform_35(%arg0: i32) -> (i32, i32) {
    %c0_i32 = arith.constant 0 : i32
    %c0_i32_0 = arith.constant 0 : i32
    %c0_i32_1 = arith.constant 0 : i32
    return %c0_i32, %c0_i32_0 : i32, i32
  }
  func.func @transform_36(%arg0: i32) -> (i32, i32) {
    %c0_i32 = arith.constant 0 : i32
    %c0_i32_0 = arith.constant 0 : i32
    %c0_i32_1 = arith.constant 0 : i32
    return %c0_i32, %c0_i32_0 : i32, i32
  }
  func.func @transform_37(%arg0: i32) -> (i32, i32) {
    %c0_i32 = arith.constant 0 : i32
    %c0_i32_0 = arith.constant 0 : i32
    %c0_i32_1 = arith.constant 0 : i32
    return %c0_i32, %c0_i32_0 : i32, i32
  }
  func.func @transform_38(%arg0: i32) -> (i32, i32) {
    %c0_i32 = arith.constant 0 : i32
    %c0_i32_0 = arith.constant 0 : i32
    %c0_i32_1 = arith.constant 0 : i32
    return %c0_i32, %c0_i32_0 : i32, i32
  }
  func.func @transform_39(%arg0: i32) -> (i32, i32) {
    %c0_i32 = arith.constant 0 : i32
    %c0_i32_0 = arith.constant 0 : i32
    return %arg0, %c0_i32 : i32, i32
  }
  func.func @transform_40(%arg0: i32) -> (i32, i32) {
    %c0_i32 = arith.constant 0 : i32
    %c0_i32_0 = arith.constant 0 : i32
    return %arg0, %c0_i32 : i32, i32
  }
}

</mosaic_0001>

<sc_bundles>
// kernel: kernel.4.cloned.1.call-start
scs
__scs_entry_jumppad:
0x0: {  	(pc) =	sbr.rel $0x88, $3  }
0x1: {  	(tag) =	ssettag $0x0;
	lr =	simm.s32 $0x1  }
0x2: {  	[smem:$0x3F77] =	sst lr;
	_ =	strace $0xD0000000  }
0x3: {  	_ = 	snop  }
0x4: {  	_ = 	snop  }
0x5: {  	_ = 	snop  }
0x6: {  	_ = 	snop  }
0x7: {  	_ = 	snop  }
__scs_overlays_trampoline_lowered:
0x8: {  	[smem:$0x3F86] =	sst s0  }
0x9: {  	[smem:$0x3F87] =	sst s1  }
0xa: {  	[smem:$0x3F88] =	sst s2  }
0xb: {  	[smem:$0x3F89] =	sst s3  }
0xc: {  	[smem:$0x3F8A] =	sst s4  }
0xd: {  	[smem:$0x3F8B] =	sst s5  }
0xe: {  	[smem:$0x3F8C] =	sst s6  }
0xf: {  	[smem:$0x3F8D] =	sst s7  }
0x10: {  	[smem:$0x3F8E] =	sst s8  }
0x11: {  	[smem:$0x3F8F] =	sst s9;
	s0 =	simm.s32 @!p0 $0x0  }
0x12: {  	s1 =	sld [smem:$0x3F75];
	s0 =	simm.s32 @p0 $0x1  }
0x13: {  	[smem:$0x3F90] =	sst s0;
	s0 =	simm.s32 @!p1 $0x0  }
0x14: {  	s2 =	sld [smem:$0x3F74];
	s0 =	simm.s32 @p1 $0x1  }
0x15: {  	[smem:$0x3F91] =	sst s0;
	s0 =	simm.s32 @!p2 $0x0  }
0x16: {  	s3 =	sld [smem:$0x3FDB];
	s0 =	simm.s32 @p2 $0x1  }
0x17: {  	s4 =	simm.s32 $0x1BF5;
	[smem:$0x3F93] =	sst s0  }
0x18: {  	s0 =	sld [smem:$0x3F76];
	_ =	swait.ge [sflag:s4], $0x0  }
0x19: {  	s7 =	sld [smem:$0x3F77]  }
0x1a: {  	s8 =	sadd.s32 $0xFFFFE003, lr  }
0x1b: {  	s9 =	sadd.s32 $0xFFFFFEF7, lr;
	s5 =	simm.s32 $0xFFFFFFFF;
	p2 =	slt.u32 s8, $0xFFFFF086  }
0x1c: {  	p1 =	slt.u32 s9, $0xF7A;
	s5 =	simm.s32 @!p2 $0x0  }
0x1d: {  	s5 =	simm.s32 @p1 $0x1;
	p0 =	seq.s32 s7, s2  }
0x1e: {  	s7 =	smul.u32 @!p0 $0xF7A, s2;
	p2 =	seq.s32 @!p0 s5, $0x0  }
0x1f: {  	s9 =	smul.u32 $0xF7A, s1;
	s8 =	simm.s32 @!p0 $0x1BF5;
	p2 =	por !p2, p0  }
0x20: {  	[sflag:s8] =	ssyncset.s32 @!p0 $0xFFFFF086;
	s6 =	sadd.s32 @!p0 s3, s7;
	s7 =	simm.s32 @!p0 $0x108  }
0x21: {  	s3 =	sadd.s32 s3, s9;
	s6 =	sadd.s32 @!p0 $0x88, s6;
	s7 =	simm.s32 @p2 $0x1082  }
0x22: {  	[simem:s7], [sflag:s8] =	dma.local @!p0 [hbm:s6], $0xF7A  }
0x23: {  	s9 =	sor.u32 $0xD0000000, s2;
	s6 =	simm.s32 $0x108;
	_ =	swait.ge @!p0 [sflag:s8], $0x0  }
0x24: {  	s3 =	sadd.s32 $0x88, s3;
	s6 =	simm.s32 @!p1 $0x1082;
	[sflag:s4] =	ssyncset.s32 $0xFFFFF086  }
0x25: {  	[simem:s6], [sflag:s4] =	dma.local [hbm:s3], $0xF7A  }
0x26: {  	[smem:$0x3F77] =	sst s1;
	(tag) =	ssettag s2;
	_ =	strace s9  }
0x27: {  	s1 =	sld [smem:$0x3F87]  }
0x28: {  	s2 =	sld [smem:$0x3F88]  }
0x29: {  	s4 =	sld [smem:$0x3F8A]  }
0x2a: {  	p0 =	seq.s32 s5, $0x0;
	s5 =	sld [smem:$0x3F8B]  }
0x2b: {  	s6 =	sld [smem:$0x3F8C]  }
0x2c: {  	s7 =	sld [smem:$0x3F8D]  }
0x2d: {  	s3 =	simm.s32 $0x108;
	s8 =	sld [smem:$0x3F8E]  }
0x2e: {  	s3 =	simm.s32 @!p0 $0x1082;
	s9 =	sld [smem:$0x3F8F]  }
0x2f: {  	lr =	sadd.s32 s0, s3;
	s0 =	sld [smem:$0x3F86]  }
0x30: {  	s3 =	sld [smem:$0x3F89]  }
0x31: {  	[smem:$0x3F92] =	sst s10  }
0x32: {  	s10 =	sld [smem:$0x3F90];
	_ =	sdelay $0x3  }
0x33: {  	p0 =	seq.s32 s10, $0x1;
	s10 =	sld [smem:$0x3F92];
	_ =	sdelay $0x3  }
0x34: {  	[smem:$0x3F92] =	sst s10  }
0x35: {  	s10 =	sld [smem:$0x3F91];
	_ =	sdelay $0x3  }
0x36: {  	p1 =	seq.s32 s10, $0x1;
	s10 =	sld [smem:$0x3F92];
	_ =	sdelay $0x3  }
0x37: {  	[smem:$0x3F92] =	sst s10  }
0x38: {  	s10 =	sld [smem:$0x3F93]  }
0x39: {  	_ = 	snop;
	(pc) =	sbr.ind lr, $3  }
0x3a: {  	_ = 	snop  }
0x3b: {  	_ = 	snop  }
0x3c: {  	p2 =	seq.s32 s10, $0x1;
	s10 =	sld [smem:$0x3F92]  }
0x3d: {  	_ =	shalt  }
0x3e: {  	_ =	shalt  }
0x3f: {  	_ =	shalt  }
0x40: {  	_ =	shalt  }
0x41: {  	_ =	shalt  }
0x42: {  	_ =	shalt  }
0x43: {  	_ =	shalt  }
0x44: {  	_ =	shalt  }
0x45: {  	_ =	shalt  }
0x46: {  	_ =	shalt  }
0x47: {  	_ =	shalt  }
0x48: {  	_ =	shalt  }
0x49: {  	_ =	shalt  }
0x4a: {  	_ =	shalt  }
0x4b: {  	_ =	shalt  }
0x4c: {  	_ =	shalt  }
0x4d: {  	_ =	shalt  }
0x4e: {  	_ =	shalt  }
0x4f: {  	_ =	shalt  }
0x50: {  	_ =	shalt  }
0x51: {  	_ =	shalt  }
0x52: {  	_ =	shalt  }
0x53: {  	_ =	shalt  }
0x54: {  	_ =	shalt  }
0x55: {  	_ =	shalt  }
0x56: {  	_ =	shalt  }
0x57: {  	_ =	shalt  }
0x58: {  	_ =	shalt  }
0x59: {  	_ =	shalt  }
0x5a: {  	_ =	shalt  }
0x5b: {  	_ =	shalt  }
0x5c: {  	_ =	shalt  }
0x5d: {  	_ =	shalt  }
0x5e: {  	_ =	shalt  }
0x5f: {  	_ =	shalt  }
0x60: {  	_ =	shalt  }
0x61: {  	_ =	shalt  }
0x62: {  	_ =	shalt  }
0x63: {  	_ =	shalt  }
0x64: {  	_ =	shalt  }
0x65: {  	_ =	shalt  }
0x66: {  	_ =	shalt  }
0x67: {  	_ =	shalt  }
0x68: {  	_ =	shalt  }
0x69: {  	_ =	shalt  }
0x6a: {  	_ =	shalt  }
0x6b: {  	_ =	shalt  }
0x6c: {  	_ =	shalt  }
0x6d: {  	_ =	shalt  }
0x6e: {  	_ =	shalt  }
0x6f: {  	_ =	shalt  }
0x70: {  	_ =	shalt  }
0x71: {  	_ =	shalt  }
0x72: {  	_ =	shalt  }
0x73: {  	_ =	shalt  }
0x74: {  	_ =	shalt  }
0x75: {  	_ =	shalt  }
0x76: {  	_ =	shalt  }
0x77: {  	_ =	shalt  }
0x78: {  	_ =	shalt  }
0x79: {  	_ =	shalt  }
0x7a: {  	_ =	shalt  }
0x7b: {  	_ =	shalt  }
0x7c: {  	_ =	shalt  }
0x7d: {  	_ =	shalt  }
0x7e: {  	_ =	shalt  }
0x7f: {  	_ =	shalt  }
0x80: {  	_ =	shalt  }
0x81: {  	_ =	shalt  }
0x82: {  	_ =	shalt  }
0x83: {  	_ =	shalt  }
0x84: {  	_ =	shalt  }
0x85: {  	_ =	shalt  }
0x86: {  	_ =	shalt  }
0x87: {  	_ =	shalt  }
.Lfunc_end0:
.L_simem_size_0:
called_computation_lowered:
.L_overlay_start_0:
0x88: {  	s2 =	sld [smem:$0x3FD9]  }
0x89: {  	s3 =	sld [smem:$0x3FFE];
	_ =	sdelay $0x1  }
0x8a: {  	s1 =	srdreg.scid  }
0x8b: {  	s0 =	sand.u32 $0x1, s1  }
0x8c: {  	s14 =	sshll.u32 s0, $0xA;
	s2 =	sadd.s32 s3, s2  }
0x8d: {  	s2 =	sadd.s32 s2, s14  }
0x8e: {  	[smem:$0x3F9E] =	sst s2  }
0x8f: {  	_ = 	snop  }
0x90: {  	s2 =	sld [smem:$0x3FD0];
	_ =	sdelay $0x2  }
0x91: {  	s15 =	simm.s32 $0xA;
	s4 =	simm.s32 $0x10  }
0x92: {  	[smem:s4], [sflag:s15] =	dma.local [hbm:s2], $0x1  }
0x93: {  	_ =	swait.eq [sflag:s15], $0x1  }
0x94: {  	[sflag:s15] =	ssyncset.done $0x0  }
0x95: {  	[sflag:s15] =	ssyncadd.s32 $0xFFFFFFFF  }
0x96: {  	s16 =	sld [smem:$0x11];
	(tm) =	ssettm $0x1  }
0x97: {  	s17 =	sld [smem:$0x3FFB];
	_ =	sdelay $0x3  }
0x98: {  	_ =	strace s17  }
0x99: {  	s3 =	sld [smem:$0x3FFC];
	_ =	sdelay $0x3  }
0x9a: {  	_ =	strace s3  }
0x9b: {  	s3 =	sld [smem:$0x3FFD];
	_ =	sdelay $0x3  }
0x9c: {  	_ =	strace s3  }
0x9d: {  	_ =	strace $0x8FFFFFFF  }
0x9e: {  	s18 =	sld [smem:$0x3FDB];
	_ =	sdelay $0x1  }
0x9f: {  	s19 =	simm.s32 $_scs_section_size  }
0xa0: {  	s5 =	simm.s32 $_size__tile_overlayer_lowered;
	s6 =	simm.s32 $_tile_overlayer_lowered  }
0xa1: {  	s22 =	simm.s32 $0x1BFF;
	s21 =	sshll.u32 s6, $0x1;
	s3 =	sadd.s32 s19, s18  }
0xa2: {  	s7 =	simm.s32 $0x0;
	s20 =	sshll.u32 s5, $0x1;
	s5 =	sadd.s32 s21, s3  }
0xa3: {  	[timem:s7], [sflag:s22] =	dma.local [hbm:s5], s20  }
0xa4: {  	_ =	swait.ge [sflag:s22], s20  }
0xa5: {  	s4 =	ssub.s32 $0x0, s20;
	[sflag:s22] =	ssyncset.done $0x0  }
0xa6: {  	[sflag:s22] =	ssyncadd.s32 s4;
	_ =	sdelay $0x1  }
0xa7: {  	s23 =	simm.s32 $0x1B8B  }
0xa8: {  	_ =	swait.ge [sflag:s23], $0x1  }
0xa9: {  	[sflag:s23] =	ssyncset.done $0x0  }
0xaa: {  	s25 =	simm.s32 $0x1B8E;
	s24 =	sld [smem:$0x3FFE];
	[sflag:s23] =	ssyncadd.s32 $0xFFFFFFFF  }
0xab: {  	s26 =	simm.s32 $execute0_lowered;
	[smem:$0x3FD2] =	sst s25  }
0xac: {  	s5 =	sshll.u32 s26, $0x1;
	_ =	strace $0x80000046;
	[dreg:$0x1] =	wrdreg $0xFFFFFFFF  }
0xad: {  	s28 =	simm.s32 $_size_execute0_lowered;
	s3 =	sadd.s32 s3, s5;
	[dreg:$0x0] =	wrdreg $0x0  }
0xae: {  	s5 =	sshll.u32 s28, $0x1;
	[dreg:$0x2] =	wrdreg s3  }
0xaf: {  	[dreg:$0x3] =	wrdreg s5  }
0xb0: {  	[dreg:$0x4] =	wrdreg $0xC0  }
0xb1: {  	_ =	task [dreg:s7], $0x5FFFF  }
0xb2: {  	[dreg:$0x1] =	wrdreg $0xFFFFFFFF  }
0xb3: {  	[dreg:$0x0] =	wrdreg $0x60  }
0xb4: {  	[dreg:$0x2] =	wrdreg s16  }
0xb5: {  	[dreg:$0x3] =	wrdreg s24  }
0xb6: {  	[dreg:$0x4] =	wrdreg $0x9  }
0xb7: {  	_ =	task.clear_ibuf [dreg:s7], $0x5FFFF;
	_ =	strace $0x90000046  }
0xb8: {  	s29 =	simm.s32 $0x9;
	_ =	strace $0x80000048  }
0xb9: {  	_ =	swait.ge [sflag:s29], $0x1  }
0xba: {  	[sflag:s29] =	ssyncadd.s32 $0xFFFFFFFF  }
0xbb: {  	_ =	strace $0x90000048  }
0xbc: {  	_ =	sfence  }
0xbd: {  	s30 =	sld [smem:$0x0];
	_ =	sdelay $0x2  }
0xbe: {  	s31 =	sshll.u32 s1, $0xD;
	s1 =	sshrl.u32 s1, $0x2  }
0xbf: {  	s3 =	sand.u32 $0x4000, s31;
	s1 =	sadd.s32 s1, s30  }
0xc0: {  	s0 =	sor.u32 s3, s0;
	s1 =	sshll.u32 s1, $0x11  }
0xc1: {  	s0 =	sor.u32 s1, s0  }
0xc2: {  	s0 =	sadd.s32 $0x8F2B, s0  }
0xc3: {  	[sflag:s0] =	ssyncadd.remote.s32 $0x1  }
0xc4: {  	_ =	sfence.sel $0xFFFF  }
0xc5: {  	[dreg:$0x0] =	wrdreg $0xFFFFFFFF;
	(pc) =	sbr.abs _section_cstart, $3  }
0xc6: {  	[dreg:$0x1] =	wrdreg $0xFFFFFFFF  }
0xc7: {  	_ =	task.clear_ibuf [dreg:s7], $0x2FFFF;
	_ =	strace $0x9FFFFFFF  }
0xc8: {  	(tm) =	ssettm $0x7FFFFFFF  }
0xc9: {  	_ =	shalt  }
tec
execute0_lowered:
.L_overlay_start_1:
0x0: {  	(tag) =	ssettag $0x1  }
0x1: {  	s1 =	srdreg.scid  }
0x2: {  	s3 =	rddreg [dreg:$0x0];
	s0 =	stileid.u32;
	s16 =	sand.u32 $0x1, s1  }
0x3: {  	s10 =	rddreg [dreg:$0x1];
	s4 =	sshll.u32 s0, $0xC;
	s5 =	sshll.u32 s16, $0xB  }
0x4: {  	s2 =	simm.s32 $0x0;
	s1 =	rddreg [dreg:$0x2];
	s11 =	sor.u32 s5, s4  }
0x5: {  	[smem:$0x7FF] =	sst s2;
	s4 =	sshrl.u32 s11, $0x3  }
0x6: {  	_ =	strace $0x80000047;
	s4 =	sadd.s32 s3, s4;
	s3 =	simm.s32 $0x3  }
0x7: {  	[tilespmem:s2], [sflag:$0x3] =	stream.linear.gather [hbm4b:s4+s2], $0x800, $0x38;
	[tilespmem:$0x10800] =	vst v63  }
0x8: {  	_ =	swait.ge [sflag:s3], $0x800  }
0x9: {  	s6 =	simm.s32 $0x200;
	[sflag:s3] =	ssyncset.done $0x0  }
0xa: {  	s7 =	simm.s32 $0x800;
	s5 =	sadd.s32 $0xF48800, s10;
	[sflag:s3] =	ssyncadd.s32 $0xFFFFF800  }
0xb: {  	[tilespmem:s7], [sflag:$0x1] =	stream.indirect.gather [hbm4b:s5+s6], $0x40, s2, s6, $0xb8;
	[tilespmem:$0x10800] =	vst v63  }
0xc: {  	s8 =	simm.s32 $0x8800;
	s9 =	simm.s32 $0x1  }
0xd: {  	[tilespmem:s8], [sflag:$0x2] =	stream.indirect.gather [hbm4b:s5+s6], $0x40, s6, s6, $0xb8;
	[tilespmem:$0x10800] =	vst v63  }
0xe: {  	s11 =	sshll.u32 s11, $0x3;
	_ =	swait.ge [sflag:s9], $0x8000  }
0xf: {  	s17 =	sadd.s32 s11, s10;
	[sflag:s9] =	ssyncset.done $0x0  }
0x10: {  	s10 =	sadd.s32 $0x6400, s17;
	[sflag:s9] =	ssyncadd.s32 $0xFFFF8000  }
0x11: {  	[hbm4b:s10+s2] =	stream.linear.scatter [tilespmem:s7], [sflag:$0x3], $0x8000, $0x38;
	[tilespmem:$0x10800] =	vst v63  }
0x12: {  	_ =	swait.ge [sflag:s3], $0x8000  }
0x13: {  	[sflag:s3] =	ssyncset.done $0x0  }
0x14: {  	s12 =	simm.s32 $0x2;
	s11 =	simm.s32 $0x400;
	[sflag:s3] =	ssyncadd.s32 $0xFFFF8000  }
0x15: {  	[tilespmem:s7], [sflag:$0x1] =	stream.indirect.gather [hbm4b:s5+s6], $0x40, s11, s6, $0xb8;
	[tilespmem:$0x10800] =	vst v63  }
0x16: {  	_ =	swait.ge [sflag:s12], $0x8000  }
0x17: {  	[sflag:s12] =	ssyncset.done $0x0  }
0x18: {  	s13 =	sadd.s32 $0x7400, s17;
	[sflag:s12] =	ssyncadd.s32 $0xFFFF8000  }
0x19: {  	[hbm4b:s13+s2] =	stream.linear.scatter [tilespmem:s8], [sflag:$0x3], $0x8000, $0x38;
	[tilespmem:$0x10800] =	vst v63  }
0x1a: {  	_ =	swait.ge [sflag:s3], $0x8000  }
0x1b: {  	[sflag:s3] =	ssyncset.done $0x0  }
0x1c: {  	s14 =	simm.s32 $0x600;
	[sflag:s3] =	ssyncadd.s32 $0xFFFF8000  }
0x1d: {  	[tilespmem:s8], [sflag:$0x2] =	stream.indirect.gather [hbm4b:s5+s6], $0x40, s14, s6, $0xb8;
	[tilespmem:$0x10800] =	vst v63  }
0x1e: {  	_ =	swait.ge [sflag:s9], $0x8000  }
0x1f: {  	[sflag:s9] =	ssyncset.done $0x0  }
0x20: {  	s16 =	ssub.s32 $0x2, s16;
	s15 =	sadd.s32 $0x8400, s17;
	[sflag:s9] =	ssyncadd.s32 $0xFFFF8000  }
0x21: {  	[hbm4b:s15+s2] =	stream.linear.scatter [tilespmem:s7], [sflag:$0x3], $0x8000, $0x38;
	[tilespmem:$0x10800] =	vst v63  }
0x22: {  	s18 =	sshrl.u32 s16, $0x1;
	_ =	swait.ge [sflag:s3], $0x8000  }
0x23: {  	s18 =	ssub.s32 s16, s18;
	[sflag:s3] =	ssyncset.done $0x0  }
0x24: {  	s31 =	smax.u32 s18, $0x1;
	[sflag:s3] =	ssyncadd.s32 $0xFFFF8000  }
0x25: {  	p0 =	sne.s32 s31, $0x1;
	_ =	swait.ge [sflag:s12], $0x8000  }
.Ltmp0:
0x26: {  	[sflag:s12] =	ssyncset.done $0x0;
	(pc) =	sbr.rel @!p0 .LBB2_2-.Ltmp0, $4  }
0x27: {  	s16 =	sadd.s32 $0x9400, s17;
	[sflag:s12] =	ssyncadd.s32 $0xFFFF8000  }
0x28: {  	[hbm4b:s16+s2] =	stream.linear.scatter [tilespmem:s8], [sflag:$0x3], $0x8000, $0x38;
	[tilespmem:$0x10800] =	vst v63  }
0x29: {  	_ =	swait.ge [sflag:s3], $0x8000  }
0x2a: {  	s17 =	sadd.s32 $0xFFFFFFFF, s31;
	[sflag:s3] =	ssyncset.done $0x0  }
.LBB2_1:
0x2b: {  	p0 =	sne.s32 s17, $0x1;
	s17 =	sadd.s32 $0xFFFFFFFF, s17;
	[sflag:s3] =	ssyncadd.s32 $0xFFFF8000  }
0x2c: {  	[tilespmem:s2], [sflag:$0x3] =	stream.linear.gather [hbm4b:s4+s2], $0x800, $0x38;
	[tilespmem:$0x10800] =	vst v63  }
0x2d: {  	_ =	swait.ge [sflag:s3], $0x800  }
0x2e: {  	[sflag:s3] =	ssyncset.done $0x0  }
0x2f: {  	[sflag:s3] =	ssyncadd.s32 $0xFFFFF800  }
0x30: {  	[tilespmem:s7], [sflag:$0x1] =	stream.indirect.gather [hbm4b:s5+s6], $0x40, s2, s6, $0xb8;
	[tilespmem:$0x10800] =	vst v63  }
0x31: {  	_ = 	snop  }
0x32: {  	[tilespmem:s8], [sflag:$0x2] =	stream.indirect.gather [hbm4b:s5+s6], $0x40, s6, s6, $0xb8;
	[tilespmem:$0x10800] =	vst v63  }
0x33: {  	_ =	swait.ge [sflag:s9], $0x8000  }
0x34: {  	[sflag:s9] =	ssyncset.done $0x0  }
0x35: {  	[sflag:s9] =	ssyncadd.s32 $0xFFFF8000  }
0x36: {  	[hbm4b:s10+s2] =	stream.linear.scatter [tilespmem:s7], [sflag:$0x3], $0x8000, $0x38;
	[tilespmem:$0x10800] =	vst v63  }
0x37: {  	_ =	swait.ge [sflag:s3], $0x8000  }
0x38: {  	[sflag:s3] =	ssyncset.done $0x0  }
0x39: {  	[sflag:s3] =	ssyncadd.s32 $0xFFFF8000  }
0x3a: {  	[tilespmem:s7], [sflag:$0x1] =	stream.indirect.gather [hbm4b:s5+s6], $0x40, s11, s6, $0xb8;
	[tilespmem:$0x10800] =	vst v63  }
0x3b: {  	_ =	swait.ge [sflag:s12], $0x8000  }
0x3c: {  	[sflag:s12] =	ssyncset.done $0x0  }
0x3d: {  	[sflag:s12] =	ssyncadd.s32 $0xFFFF8000  }
0x3e: {  	[hbm4b:s13+s2] =	stream.linear.scatter [tilespmem:s8], [sflag:$0x3], $0x8000, $0x38;
	[tilespmem:$0x10800] =	vst v63  }
0x3f: {  	_ =	swait.ge [sflag:s3], $0x8000  }
0x40: {  	[sflag:s3] =	ssyncset.done $0x0  }
0x41: {  	[sflag:s3] =	ssyncadd.s32 $0xFFFF8000  }
0x42: {  	[tilespmem:s8], [sflag:$0x2] =	stream.indirect.gather [hbm4b:s5+s6], $0x40, s14, s6, $0xb8;
	[tilespmem:$0x10800] =	vst v63  }
0x43: {  	_ =	swait.ge [sflag:s9], $0x8000  }
0x44: {  	[sflag:s9] =	ssyncset.done $0x0  }
0x45: {  	[sflag:s9] =	ssyncadd.s32 $0xFFFF8000  }
0x46: {  	[hbm4b:s15+s2] =	stream.linear.scatter [tilespmem:s7], [sflag:$0x3], $0x8000, $0x38;
	[tilespmem:$0x10800] =	vst v63  }
0x47: {  	_ =	swait.ge [sflag:s3], $0x8000  }
0x48: {  	[sflag:s3] =	ssyncset.done $0x0  }
0x49: {  	[sflag:s3] =	ssyncadd.s32 $0xFFFF8000  }
0x4a: {  	_ =	swait.ge [sflag:s12], $0x8000  }
.Ltmp1:
0x4b: {  	[sflag:s12] =	ssyncset.done $0x0;
	(pc) =	sbr.rel @p0 .LBB2_1-.Ltmp1, $4  }
0x4c: {  	[sflag:s12] =	ssyncadd.s32 $0xFFFF8000  }
0x4d: {  	[hbm4b:s16+s2] =	stream.linear.scatter [tilespmem:s8], [sflag:$0x3], $0x8000, $0x38;
	[tilespmem:$0x10800] =	vst v63  }
0x4e: {  	_ =	swait.ge [sflag:s3], $0x8000  }
0x4f: {  	[sflag:s3] =	ssyncset.done $0x0  }
.LBB2_2:
0x50: {  	[sflag:s3] =	ssyncadd.s32 $0xFFFF8000  }
0x51: {  	_ =	sfence.sel $0x180000  }
0x52: {  	[bflag:$0x0] =	sbarrier.arrive $0xFFFF  }
0x53: {  	p0 =	sne.s32 s0, $0x0;
	_ =	strace $0x90000047  }
0x54: {  	s0 =	sadd.s32 @!p0 $0x100000, s1;
	[bflag:$0x2] =	sbarrier.arrive $0xFFFF  }
0x55: {  	[sflag:s0] =	ssyncadd.tile.s32 @!p0 $0x1;
	_ =	shalt  }
.Lfunc_end2:
_tile_overlayer_lowered:
.L_overlay_start_2:
0x56: {  	(tag) =	ssettag $0x2  }
0x57: {  	s0 =	rddreg [dreg:$0x0];
	s2 =	stileid.u32  }
0x58: {  	s1 =	rddreg [dreg:$0x1];
	p0 =	sne.s32 s2, $0x0  }
0x59: {  	s3 =	rddreg [dreg:$0x2];
	[bflag:$0x3] =	sbarrier.arrive $0xFFFF;
	s2 =	simm.s32 @!p0 $0x1C03  }
0x5a: {  	[timem:s3], [sflag:s2] =	dma.local @!p0 [hbm:s0], s1  }
0x5b: {  	s0 =	simm.s32 @!p0 $0x3  }
0x5c: {  	_ =	swait.ge @!p0 [sflag:s0], s1  }
0x5d: {  	s1 =	ssub.s32 @!p0 $0x0, s1;
	[sflag:s0] =	ssyncset.done @!p0 $0x0  }
0x5e: {  	[sflag:s0] =	ssyncadd.s32 @!p0 s1  }
0x5f: {  	[bflag:$0x3] =	sbarrier.arrive $0xFFFF  }
0x60: {  	_ =	shalt  }

</sc_bundles>
